<compile_context>
chip_gen: v7x
topology: tpu7x:2x2x1
jax: 0.10.2.dev20260603
libtpu: 0.0.44.dev20260713+nightly
codegen_flags: <defaults>
</compile_context>

<pallas_src>
import functools

import jax
import jax.numpy as jnp
from jax import lax
from jax.experimental import pallas as pl
from jax.experimental.pallas import tpu as pltpu
from jax.experimental.pallas import tpu_sc as plsc

_CLASS_MAP = (19, 19, 19, 19, 19, 19, 19, 0, 1, 19, 19, 2, 3, 4, 19, 19, 19, 5,
              19, 6, 7, 8, 9, 10, 11, 12, 13, 14, 15, 19, 19, 16, 17, 18, 19)
_TABLE_PAD = 48

_B, _H, _W = 16, 512, 512
_NC, _NS, _L = 2, 16, 16
_NW = _NC * _NS
_ROWS_W = _B * _H // _NW
_BLK_R = 32
_NBLK = _ROWS_W // _BLK_R
_BLK = _BLK_R * _W

_mesh = plsc.VectorSubcoreMesh(core_axis_name="c", subcore_axis_name="s",
                               num_cores=_NC, num_subcores=_NS)


@functools.partial(
    pl.kernel,
    out_type=jax.ShapeDtypeStruct((_B, _H, _W), jnp.int32),
    mesh=_mesh,
    compiler_params=pltpu.CompilerParams(needs_layout_passes=False),
    scratch_types=[
        pltpu.VMEM((_TABLE_PAD,), jnp.int32),
        pltpu.VMEM((2, _BLK_R, _W), jnp.int32),
        pltpu.VMEM((2, _BLK_R, _W), jnp.int32),
        pltpu.SemaphoreType.DMA,
        pltpu.SemaphoreType.DMA,
        pltpu.SemaphoreType.DMA,
        pltpu.SemaphoreType.DMA,
    ],
)
def _remap(tree_hbm, out_hbm, table_v, ibuf, obuf, si0, si1, so0, so1):
  wid = lax.axis_index("s") * _NC + lax.axis_index("c")
  img = wid // 2
  row0 = (wid % 2) * _ROWS_W
  si = (si0, si1)
  so = (so0, so1)

  for v in range(_TABLE_PAD // _L):
    x = lax.iota(jnp.int32, _L) + v * _L
    off = (7 + 2 * (x >= 11).astype(jnp.int32)
           + 3 * (x >= 17).astype(jnp.int32)
           + (x >= 19).astype(jnp.int32)
           + 2 * (x >= 31).astype(jnp.int32))
    valid = ((x >= 7) & (x <= 33)
             & ~((x >= 9) & (x <= 10))
             & ~((x >= 14) & (x <= 16))
             & (x != 18)
             & ~((x >= 29) & (x <= 30)))
    table_v[pl.ds(v * _L, _L)] = jnp.where(valid, x - off, 19)

  cp_in = [None, None]
  cp_out = [None, None]
  cp_in[0] = pltpu.async_copy(
      tree_hbm.at[img, pl.ds(row0, _BLK_R)], ibuf.at[0], si[0])
  for b in range(_NBLK):
    s = b % 2
    if b + 1 < _NBLK:
      cp_in[(b + 1) % 2] = pltpu.async_copy(
          tree_hbm.at[img, pl.ds(row0 + (b + 1) * _BLK_R, _BLK_R)],
          ibuf.at[(b + 1) % 2], si[(b + 1) % 2])
    cp_in[s].wait()
    if cp_out[s] is not None:
      cp_out[s].wait()

    @plsc.parallel_loop(0, _BLK, _L, unroll=8)
    def vec_body(i):
      r = i >> 9
      c = i & (_W - 1)
      idx = ibuf[s, r, pl.ds(c, _L)]
      obuf[s, r, pl.ds(c, _L)] = plsc.load_gather(table_v, [idx])

    cp_out[s] = pltpu.async_copy(
        obuf.at[s], out_hbm.at[img, pl.ds(row0 + b * _BLK_R, _BLK_R)], so[s])
  cp_out[(_NBLK - 2) % 2].wait()
  cp_out[(_NBLK - 1) % 2].wait()


def kernel(tree):
  return _remap(tree.astype(jnp.int32)).astype(tree.dtype)

# --- scband reference (transcript-rebuilt; emitter-appended) ---
"""Pipeline reference for scband-encode-segmentation-tree-44281112821839 (READ-ONLY COPY).

The authoritative reference and input builder live on the scoring server;
editing this copy changes nothing except your own understanding.
"""

import jax, jax.numpy as jnp
import numpy as np

CLASS_MAP = jnp.asarray([19, 19, 19, 19, 19, 19, 19, 0, 1, 19, 19, 2, 3, 4, 19, 19, 19, 5, 19, 6, 7, 8, 9, 10, 11, 12, 13, 14, 15, 19, 19, 16, 17, 18, 19], dtype=jnp.int64)


def setup_inputs(seed: int = 0) -> dict:
    key = jax.random.key(seed)
    tree = jax.random.randint(key, (16, 512, 512), 0, 35, dtype=jnp.int64)
    return {"tree": tree}


def reference(tree):
    # EncodeSegmentationTree.forward: map_tree(encode_segmentation_map, tree)
    # encode_segmentation_map(x) = class_map[x]  (embedding-style gather)
    def encode_segmentation_map(segmentation_map):
        return jnp.take(CLASS_MAP, segmentation_map, axis=0)
    return jax.tree_util.tree_map(encode_segmentation_map, tree)

if __name__ == "__main__":
    import jax
    _d = setup_inputs()
    print(jax.jit(kernel)(*tuple(_d.values())))

</pallas_src>

<mosaic_0001>
#map = affine_map<(d0, d1) -> (0, 0, 0)>
module attributes {stable_mosaic.version = 14 : i64} {
  func.func @_remap(%arg0: i32, %arg1: i32, %arg2: memref<16x512x512xi32, #tpu.memory_space<hbm>>, %arg3: memref<16x512x512xi32, #tpu.memory_space<hbm>>, %arg4: memref<48xi32, #tpu.memory_space<vmem>>, %arg5: memref<2x32x512xi32, #tpu.memory_space<vmem>>, %arg6: memref<2x32x512xi32, #tpu.memory_space<vmem>>, %arg7: memref<!tpu.dma_semaphore, #tpu.memory_space<semaphore_mem>>, %arg8: memref<!tpu.dma_semaphore, #tpu.memory_space<semaphore_mem>>, %arg9: memref<!tpu.dma_semaphore, #tpu.memory_space<semaphore_mem>>, %arg10: memref<!tpu.dma_semaphore, #tpu.memory_space<semaphore_mem>>) attributes {dimension_semantics = [#tpu.dimension_semantics<core_parallel>, #tpu.dimension_semantics<subcore_parallel>], iteration_bounds = array<i64: 2, 16>, scalar_prefetch = 0 : i64, scratch_operands = 7 : i64, tpu.core_type = #tpu.core_type<sc_vector_subcore>, window_params = [{transform_indices = #map}, {transform_indices = #map}]} {
    %mul3A = arith.constant 2 : i32
    %mul3A_0 = arith.muli %arg1, %mul3A : i32
    %add3A = arith.addi %mul3A_0, %arg0 : i32
    %jit3A = arith.constant 2 : i32
    %div3A = arith.divsi %add3A, %jit3A : i32
    %sign3A = arith.constant 0 : i32
    %sign3A_1 = arith.cmpi sgt, %add3A, %sign3A : i32
    %sign3A_2 = arith.extui %sign3A_1 : i1 to i32
    %sign3A_3 = arith.constant 0 : i32
    %sign3A_4 = arith.cmpi slt, %add3A, %sign3A_3 : i32
    %sign3A_5 = arith.extui %sign3A_4 : i1 to i32
    %sign3A_6 = arith.subi %sign3A_2, %sign3A_5 : i32
    %sign3A_7 = arith.constant 0 : i32
    %sign3A_8 = arith.cmpi sgt, %jit3A, %sign3A_7 : i32
    %sign3A_9 = arith.extui %sign3A_8 : i1 to i32
    %sign3A_10 = arith.constant 0 : i32
    %sign3A_11 = arith.cmpi slt, %jit3A, %sign3A_10 : i32
    %sign3A_12 = arith.extui %sign3A_11 : i1 to i32
    %sign3A_13 = arith.subi %sign3A_9, %sign3A_12 : i32
    %ne3A = arith.cmpi ne, %sign3A_6, %sign3A_13 : i32
    %rem3A = arith.remsi %add3A, %jit3A : i32
    %ne3A_14 = arith.constant 0 : i32
    %ne3A_15 = arith.cmpi ne, %rem3A, %ne3A_14 : i32
    %and3A = arith.andi %ne3A, %ne3A_15 : i1
    %sub3A = arith.constant 1 : i32
    %sub3A_16 = arith.subi %div3A, %sub3A : i32
    %select_n3A = arith.select %and3A, %sub3A_16, %div3A : i32
    %jit3A_17 = arith.constant 2 : i32
    %eq3A = arith.constant 0 : i32
    %eq3A_18 = arith.cmpi eq, %jit3A_17, %eq3A : i32
    %jit3A_19 = arith.constant 1 : i32
    %select_n3A_20 = arith.select %eq3A_18, %jit3A_19, %jit3A_17 : i32
    %rem3A_21 = arith.remsi %add3A, %select_n3A_20 : i32
    %ne3A_22 = arith.constant 0 : i32
    %ne3A_23 = arith.cmpi ne, %rem3A_21, %ne3A_22 : i32
    %lt3A = arith.constant 0 : i32
    %lt3A_24 = arith.cmpi slt, %rem3A_21, %lt3A : i32
    %lt3A_25 = arith.constant 0 : i32
    %lt3A_26 = arith.cmpi slt, %select_n3A_20, %lt3A_25 : i32
    %ne3A_27 = arith.xori %lt3A_24, %lt3A_26 : i1
    %and3A_28 = arith.andi %ne3A_27, %ne3A_23 : i1
    %add3A_29 = arith.addi %rem3A_21, %select_n3A_20 : i32
    %select_n3A_30 = arith.select %and3A_28, %add3A_29, %rem3A_21 : i32
    %mul3A_31 = arith.constant 256 : i32
    %mul3A_32 = arith.muli %select_n3A_30, %mul3A_31 : i32
    %iota3A = tpu.iota {dimensions = array<i32: 0>} : vector<16xi32>
    %add3A_33 = arith.constant 0 : i32
    %add3A_34 = vector.broadcast %add3A_33 : i32 to vector<16xi32>
    %add3A_35 = arith.addi %iota3A, %add3A_34 : vector<16xi32>
    %ge3A = arith.constant 11 : i32
    %ge3A_36 = vector.broadcast %ge3A : i32 to vector<16xi32>
    %ge3A_37 = arith.cmpi sge, %add3A_35, %ge3A_36 : vector<16xi32>
    %convert_element_type3A = arith.extui %ge3A_37 : vector<16xi1> to vector<16xi32>
    %mul3A_38 = arith.constant 2 : i32
    %mul3A_39 = vector.broadcast %mul3A_38 : i32 to vector<16xi32>
    %mul3A_40 = arith.muli %mul3A_39, %convert_element_type3A : vector<16xi32>
    %add3A_41 = arith.constant 7 : i32
    %add3A_42 = vector.broadcast %add3A_41 : i32 to vector<16xi32>
    %add3A_43 = arith.addi %add3A_42, %mul3A_40 : vector<16xi32>
    %ge3A_44 = arith.constant 17 : i32
    %ge3A_45 = vector.broadcast %ge3A_44 : i32 to vector<16xi32>
    %ge3A_46 = arith.cmpi sge, %add3A_35, %ge3A_45 : vector<16xi32>
    %convert_element_type3A_47 = arith.extui %ge3A_46 : vector<16xi1> to vector<16xi32>
    %mul3A_48 = arith.constant 3 : i32
    %mul3A_49 = vector.broadcast %mul3A_48 : i32 to vector<16xi32>
    %mul3A_50 = arith.muli %mul3A_49, %convert_element_type3A_47 : vector<16xi32>
    %add3A_51 = arith.addi %add3A_43, %mul3A_50 : vector<16xi32>
    %ge3A_52 = arith.constant 19 : i32
    %ge3A_53 = vector.broadcast %ge3A_52 : i32 to vector<16xi32>
    %ge3A_54 = arith.cmpi sge, %add3A_35, %ge3A_53 : vector<16xi32>
    %convert_element_type3A_55 = arith.extui %ge3A_54 : vector<16xi1> to vector<16xi32>
    %add3A_56 = arith.addi %add3A_51, %convert_element_type3A_55 : vector<16xi32>
    %ge3A_57 = arith.constant 31 : i32
    %ge3A_58 = vector.broadcast %ge3A_57 : i32 to vector<16xi32>
    %ge3A_59 = arith.cmpi sge, %add3A_35, %ge3A_58 : vector<16xi32>
    %convert_element_type3A_60 = arith.extui %ge3A_59 : vector<16xi1> to vector<16xi32>
    %mul3A_61 = arith.constant 2 : i32
    %mul3A_62 = vector.broadcast %mul3A_61 : i32 to vector<16xi32>
    %mul3A_63 = arith.muli %mul3A_62, %convert_element_type3A_60 : vector<16xi32>
    %add3A_64 = arith.addi %add3A_56, %mul3A_63 : vector<16xi32>
    %ge3A_65 = arith.constant 7 : i32
    %ge3A_66 = vector.broadcast %ge3A_65 : i32 to vector<16xi32>
    %ge3A_67 = arith.cmpi sge, %add3A_35, %ge3A_66 : vector<16xi32>
    %le3A = arith.constant 33 : i32
    %le3A_68 = vector.broadcast %le3A : i32 to vector<16xi32>
    %le3A_69 = arith.cmpi sle, %add3A_35, %le3A_68 : vector<16xi32>
    %and3A_70 = arith.andi %ge3A_67, %le3A_69 : vector<16xi1>
    %ge3A_71 = arith.constant 9 : i32
    %ge3A_72 = vector.broadcast %ge3A_71 : i32 to vector<16xi32>
    %ge3A_73 = arith.cmpi sge, %add3A_35, %ge3A_72 : vector<16xi32>
    %le3A_74 = arith.constant 10 : i32
    %le3A_75 = vector.broadcast %le3A_74 : i32 to vector<16xi32>
    %le3A_76 = arith.cmpi sle, %add3A_35, %le3A_75 : vector<16xi32>
    %and3A_77 = arith.andi %ge3A_73, %le3A_76 : vector<16xi1>
    %not3A = arith.constant dense<true> : vector<16xi1>
    %not3A_78 = arith.xori %and3A_77, %not3A : vector<16xi1>
    %and3A_79 = arith.andi %and3A_70, %not3A_78 : vector<16xi1>
    %ge3A_80 = arith.constant 14 : i32
    %ge3A_81 = vector.broadcast %ge3A_80 : i32 to vector<16xi32>
    %ge3A_82 = arith.cmpi sge, %add3A_35, %ge3A_81 : vector<16xi32>
    %le3A_83 = arith.constant 16 : i32
    %le3A_84 = vector.broadcast %le3A_83 : i32 to vector<16xi32>
    %le3A_85 = arith.cmpi sle, %add3A_35, %le3A_84 : vector<16xi32>
    %and3A_86 = arith.andi %ge3A_82, %le3A_85 : vector<16xi1>
    %not3A_87 = arith.constant dense<true> : vector<16xi1>
    %not3A_88 = arith.xori %and3A_86, %not3A_87 : vector<16xi1>
    %and3A_89 = arith.andi %and3A_79, %not3A_88 : vector<16xi1>
    %ne3A_90 = arith.constant 18 : i32
    %ne3A_91 = vector.broadcast %ne3A_90 : i32 to vector<16xi32>
    %ne3A_92 = arith.cmpi ne, %add3A_35, %ne3A_91 : vector<16xi32>
    %and3A_93 = arith.andi %and3A_89, %ne3A_92 : vector<16xi1>
    %ge3A_94 = arith.constant 29 : i32
    %ge3A_95 = vector.broadcast %ge3A_94 : i32 to vector<16xi32>
    %ge3A_96 = arith.cmpi sge, %add3A_35, %ge3A_95 : vector<16xi32>
    %le3A_97 = arith.constant 30 : i32
    %le3A_98 = vector.broadcast %le3A_97 : i32 to vector<16xi32>
    %le3A_99 = arith.cmpi sle, %add3A_35, %le3A_98 : vector<16xi32>
    %and3A_100 = arith.andi %ge3A_96, %le3A_99 : vector<16xi1>
    %not3A_101 = arith.constant dense<true> : vector<16xi1>
    %not3A_102 = arith.xori %and3A_100, %not3A_101 : vector<16xi1>
    %and3A_103 = arith.andi %and3A_93, %not3A_102 : vector<16xi1>
    %sub3A_104 = arith.subi %add3A_35, %add3A_64 : vector<16xi32>
    %jit3A_105 = arith.constant 19 : i32
    %broadcast_in_dim3A = vector.broadcast %jit3A_105 : i32 to vector<16xi32>
    %select_n3A_106 = arith.select %and3A_103, %sub3A_104, %broadcast_in_dim3A : vector<16xi1>, vector<16xi32>
    %swap3A = arith.constant 0 : index
    %swap3A_107 = tpu.vector_load %arg4[%swap3A] {strides = array<i32>} : memref<48xi32, #tpu.memory_space<vmem>>, vector<16xi32>,
    tpu.vector_store %arg4[%swap3A], %select_n3A_106 {strides = array<i32>} : memref<48xi32, #tpu.memory_space<vmem>>, vector<16xi32>,
    %iota3A_108 = tpu.iota {dimensions = array<i32: 0>} : vector<16xi32>
    %add3A_109 = arith.constant 16 : i32
    %add3A_110 = vector.broadcast %add3A_109 : i32 to vector<16xi32>
    %add3A_111 = arith.addi %iota3A_108, %add3A_110 : vector<16xi32>
    %ge3A_112 = arith.constant 11 : i32
    %ge3A_113 = vector.broadcast %ge3A_112 : i32 to vector<16xi32>
    %ge3A_114 = arith.cmpi sge, %add3A_111, %ge3A_113 : vector<16xi32>
    %convert_element_type3A_115 = arith.extui %ge3A_114 : vector<16xi1> to vector<16xi32>
    %mul3A_116 = arith.constant 2 : i32
    %mul3A_117 = vector.broadcast %mul3A_116 : i32 to vector<16xi32>
    %mul3A_118 = arith.muli %mul3A_117, %convert_element_type3A_115 : vector<16xi32>
    %add3A_119 = arith.constant 7 : i32
    %add3A_120 = vector.broadcast %add3A_119 : i32 to vector<16xi32>
    %add3A_121 = arith.addi %add3A_120, %mul3A_118 : vector<16xi32>
    %ge3A_122 = arith.constant 17 : i32
    %ge3A_123 = vector.broadcast %ge3A_122 : i32 to vector<16xi32>
    %ge3A_124 = arith.cmpi sge, %add3A_111, %ge3A_123 : vector<16xi32>
    %convert_element_type3A_125 = arith.extui %ge3A_124 : vector<16xi1> to vector<16xi32>
    %mul3A_126 = arith.constant 3 : i32
    %mul3A_127 = vector.broadcast %mul3A_126 : i32 to vector<16xi32>
    %mul3A_128 = arith.muli %mul3A_127, %convert_element_type3A_125 : vector<16xi32>
    %add3A_129 = arith.addi %add3A_121, %mul3A_128 : vector<16xi32>
    %ge3A_130 = arith.constant 19 : i32
    %ge3A_131 = vector.broadcast %ge3A_130 : i32 to vector<16xi32>
    %ge3A_132 = arith.cmpi sge, %add3A_111, %ge3A_131 : vector<16xi32>
    %convert_element_type3A_133 = arith.extui %ge3A_132 : vector<16xi1> to vector<16xi32>
    %add3A_134 = arith.addi %add3A_129, %convert_element_type3A_133 : vector<16xi32>
    %ge3A_135 = arith.constant 31 : i32
    %ge3A_136 = vector.broadcast %ge3A_135 : i32 to vector<16xi32>
    %ge3A_137 = arith.cmpi sge, %add3A_111, %ge3A_136 : vector<16xi32>
    %convert_element_type3A_138 = arith.extui %ge3A_137 : vector<16xi1> to vector<16xi32>
    %mul3A_139 = arith.constant 2 : i32
    %mul3A_140 = vector.broadcast %mul3A_139 : i32 to vector<16xi32>
    %mul3A_141 = arith.muli %mul3A_140, %convert_element_type3A_138 : vector<16xi32>
    %add3A_142 = arith.addi %add3A_134, %mul3A_141 : vector<16xi32>
    %ge3A_143 = arith.constant 7 : i32
    %ge3A_144 = vector.broadcast %ge3A_143 : i32 to vector<16xi32>
    %ge3A_145 = arith.cmpi sge, %add3A_111, %ge3A_144 : vector<16xi32>
    %le3A_146 = arith.constant 33 : i32
    %le3A_147 = vector.broadcast %le3A_146 : i32 to vector<16xi32>
    %le3A_148 = arith.cmpi sle, %add3A_111, %le3A_147 : vector<16xi32>
    %and3A_149 = arith.andi %ge3A_145, %le3A_148 : vector<16xi1>
    %ge3A_150 = arith.constant 9 : i32
    %ge3A_151 = vector.broadcast %ge3A_150 : i32 to vector<16xi32>
    %ge3A_152 = arith.cmpi sge, %add3A_111, %ge3A_151 : vector<16xi32>
    %le3A_153 = arith.constant 10 : i32
    %le3A_154 = vector.broadcast %le3A_153 : i32 to vector<16xi32>
    %le3A_155 = arith.cmpi sle, %add3A_111, %le3A_154 : vector<16xi32>
    %and3A_156 = arith.andi %ge3A_152, %le3A_155 : vector<16xi1>
    %not3A_157 = arith.constant dense<true> : vector<16xi1>
    %not3A_158 = arith.xori %and3A_156, %not3A_157 : vector<16xi1>
    %and3A_159 = arith.andi %and3A_149, %not3A_158 : vector<16xi1>
    %ge3A_160 = arith.constant 14 : i32
    %ge3A_161 = vector.broadcast %ge3A_160 : i32 to vector<16xi32>
    %ge3A_162 = arith.cmpi sge, %add3A_111, %ge3A_161 : vector<16xi32>
    %le3A_163 = arith.constant 16 : i32
    %le3A_164 = vector.broadcast %le3A_163 : i32 to vector<16xi32>
    %le3A_165 = arith.cmpi sle, %add3A_111, %le3A_164 : vector<16xi32>
    %and3A_166 = arith.andi %ge3A_162, %le3A_165 : vector<16xi1>
    %not3A_167 = arith.constant dense<true> : vector<16xi1>
    %not3A_168 = arith.xori %and3A_166, %not3A_167 : vector<16xi1>
    %and3A_169 = arith.andi %and3A_159, %not3A_168 : vector<16xi1>
    %ne3A_170 = arith.constant 18 : i32
    %ne3A_171 = vector.broadcast %ne3A_170 : i32 to vector<16xi32>
    %ne3A_172 = arith.cmpi ne, %add3A_111, %ne3A_171 : vector<16xi32>
    %and3A_173 = arith.andi %and3A_169, %ne3A_172 : vector<16xi1>
    %ge3A_174 = arith.constant 29 : i32
    %ge3A_175 = vector.broadcast %ge3A_174 : i32 to vector<16xi32>
    %ge3A_176 = arith.cmpi sge, %add3A_111, %ge3A_175 : vector<16xi32>
    %le3A_177 = arith.constant 30 : i32
    %le3A_178 = vector.broadcast %le3A_177 : i32 to vector<16xi32>
    %le3A_179 = arith.cmpi sle, %add3A_111, %le3A_178 : vector<16xi32>
    %and3A_180 = arith.andi %ge3A_176, %le3A_179 : vector<16xi1>
    %not3A_181 = arith.constant dense<true> : vector<16xi1>
    %not3A_182 = arith.xori %and3A_180, %not3A_181 : vector<16xi1>
    %and3A_183 = arith.andi %and3A_173, %not3A_182 : vector<16xi1>
    %sub3A_184 = arith.subi %add3A_111, %add3A_142 : vector<16xi32>
    %jit3A_185 = arith.constant 19 : i32
    %broadcast_in_dim3A_186 = vector.broadcast %jit3A_185 : i32 to vector<16xi32>
    %select_n3A_187 = arith.select %and3A_183, %sub3A_184, %broadcast_in_dim3A_186 : vector<16xi1>, vector<16xi32>
    %swap3A_188 = arith.constant 16 : index
    %swap3A_189 = tpu.vector_load %arg4[%swap3A_188] {strides = array<i32>} : memref<48xi32, #tpu.memory_space<vmem>>, vector<16xi32>,
    tpu.vector_store %arg4[%swap3A_188], %select_n3A_187 {strides = array<i32>} : memref<48xi32, #tpu.memory_space<vmem>>, vector<16xi32>,
    %iota3A_190 = tpu.iota {dimensions = array<i32: 0>} : vector<16xi32>
    %add3A_191 = arith.constant 32 : i32
    %add3A_192 = vector.broadcast %add3A_191 : i32 to vector<16xi32>
    %add3A_193 = arith.addi %iota3A_190, %add3A_192 : vector<16xi32>
    %ge3A_194 = arith.constant 11 : i32
    %ge3A_195 = vector.broadcast %ge3A_194 : i32 to vector<16xi32>
    %ge3A_196 = arith.cmpi sge, %add3A_193, %ge3A_195 : vector<16xi32>
    %convert_element_type3A_197 = arith.extui %ge3A_196 : vector<16xi1> to vector<16xi32>
    %mul3A_198 = arith.constant 2 : i32
    %mul3A_199 = vector.broadcast %mul3A_198 : i32 to vector<16xi32>
    %mul3A_200 = arith.muli %mul3A_199, %convert_element_type3A_197 : vector<16xi32>
    %add3A_201 = arith.constant 7 : i32
    %add3A_202 = vector.broadcast %add3A_201 : i32 to vector<16xi32>
    %add3A_203 = arith.addi %add3A_202, %mul3A_200 : vector<16xi32>
    %ge3A_204 = arith.constant 17 : i32
    %ge3A_205 = vector.broadcast %ge3A_204 : i32 to vector<16xi32>
    %ge3A_206 = arith.cmpi sge, %add3A_193, %ge3A_205 : vector<16xi32>
    %convert_element_type3A_207 = arith.extui %ge3A_206 : vector<16xi1> to vector<16xi32>
    %mul3A_208 = arith.constant 3 : i32
    %mul3A_209 = vector.broadcast %mul3A_208 : i32 to vector<16xi32>
    %mul3A_210 = arith.muli %mul3A_209, %convert_element_type3A_207 : vector<16xi32>
    %add3A_211 = arith.addi %add3A_203, %mul3A_210 : vector<16xi32>
    %ge3A_212 = arith.constant 19 : i32
    %ge3A_213 = vector.broadcast %ge3A_212 : i32 to vector<16xi32>
    %ge3A_214 = arith.cmpi sge, %add3A_193, %ge3A_213 : vector<16xi32>
    %convert_element_type3A_215 = arith.extui %ge3A_214 : vector<16xi1> to vector<16xi32>
    %add3A_216 = arith.addi %add3A_211, %convert_element_type3A_215 : vector<16xi32>
    %ge3A_217 = arith.constant 31 : i32
    %ge3A_218 = vector.broadcast %ge3A_217 : i32 to vector<16xi32>
    %ge3A_219 = arith.cmpi sge, %add3A_193, %ge3A_218 : vector<16xi32>
    %convert_element_type3A_220 = arith.extui %ge3A_219 : vector<16xi1> to vector<16xi32>
    %mul3A_221 = arith.constant 2 : i32
    %mul3A_222 = vector.broadcast %mul3A_221 : i32 to vector<16xi32>
    %mul3A_223 = arith.muli %mul3A_222, %convert_element_type3A_220 : vector<16xi32>
    %add3A_224 = arith.addi %add3A_216, %mul3A_223 : vector<16xi32>
    %ge3A_225 = arith.constant 7 : i32
    %ge3A_226 = vector.broadcast %ge3A_225 : i32 to vector<16xi32>
    %ge3A_227 = arith.cmpi sge, %add3A_193, %ge3A_226 : vector<16xi32>
    %le3A_228 = arith.constant 33 : i32
    %le3A_229 = vector.broadcast %le3A_228 : i32 to vector<16xi32>
    %le3A_230 = arith.cmpi sle, %add3A_193, %le3A_229 : vector<16xi32>
    %and3A_231 = arith.andi %ge3A_227, %le3A_230 : vector<16xi1>
    %ge3A_232 = arith.constant 9 : i32
    %ge3A_233 = vector.broadcast %ge3A_232 : i32 to vector<16xi32>
    %ge3A_234 = arith.cmpi sge, %add3A_193, %ge3A_233 : vector<16xi32>
    %le3A_235 = arith.constant 10 : i32
    %le3A_236 = vector.broadcast %le3A_235 : i32 to vector<16xi32>
    %le3A_237 = arith.cmpi sle, %add3A_193, %le3A_236 : vector<16xi32>
    %and3A_238 = arith.andi %ge3A_234, %le3A_237 : vector<16xi1>
    %not3A_239 = arith.constant dense<true> : vector<16xi1>
    %not3A_240 = arith.xori %and3A_238, %not3A_239 : vector<16xi1>
    %and3A_241 = arith.andi %and3A_231, %not3A_240 : vector<16xi1>
    %ge3A_242 = arith.constant 14 : i32
    %ge3A_243 = vector.broadcast %ge3A_242 : i32 to vector<16xi32>
    %ge3A_244 = arith.cmpi sge, %add3A_193, %ge3A_243 : vector<16xi32>
    %le3A_245 = arith.constant 16 : i32
    %le3A_246 = vector.broadcast %le3A_245 : i32 to vector<16xi32>
    %le3A_247 = arith.cmpi sle, %add3A_193, %le3A_246 : vector<16xi32>
    %and3A_248 = arith.andi %ge3A_244, %le3A_247 : vector<16xi1>
    %not3A_249 = arith.constant dense<true> : vector<16xi1>
    %not3A_250 = arith.xori %and3A_248, %not3A_249 : vector<16xi1>
    %and3A_251 = arith.andi %and3A_241, %not3A_250 : vector<16xi1>
    %ne3A_252 = arith.constant 18 : i32
    %ne3A_253 = vector.broadcast %ne3A_252 : i32 to vector<16xi32>
    %ne3A_254 = arith.cmpi ne, %add3A_193, %ne3A_253 : vector<16xi32>
    %and3A_255 = arith.andi %and3A_251, %ne3A_254 : vector<16xi1>
    %ge3A_256 = arith.constant 29 : i32
    %ge3A_257 = vector.broadcast %ge3A_256 : i32 to vector<16xi32>
    %ge3A_258 = arith.cmpi sge, %add3A_193, %ge3A_257 : vector<16xi32>
    %le3A_259 = arith.constant 30 : i32
    %le3A_260 = vector.broadcast %le3A_259 : i32 to vector<16xi32>
    %le3A_261 = arith.cmpi sle, %add3A_193, %le3A_260 : vector<16xi32>
    %and3A_262 = arith.andi %ge3A_258, %le3A_261 : vector<16xi1>
    %not3A_263 = arith.constant dense<true> : vector<16xi1>
    %not3A_264 = arith.xori %and3A_262, %not3A_263 : vector<16xi1>
    %and3A_265 = arith.andi %and3A_255, %not3A_264 : vector<16xi1>
    %sub3A_266 = arith.subi %add3A_193, %add3A_224 : vector<16xi32>
    %jit3A_267 = arith.constant 19 : i32
    %broadcast_in_dim3A_268 = vector.broadcast %jit3A_267 : i32 to vector<16xi32>
    %select_n3A_269 = arith.select %and3A_265, %sub3A_266, %broadcast_in_dim3A_268 : vector<16xi1>, vector<16xi32>
    %swap3A_270 = arith.constant 32 : index
    %swap3A_271 = tpu.vector_load %arg4[%swap3A_270] {strides = array<i32>} : memref<48xi32, #tpu.memory_space<vmem>>, vector<16xi32>,
    tpu.vector_store %arg4[%swap3A_270], %select_n3A_269 {strides = array<i32>} : memref<48xi32, #tpu.memory_space<vmem>>, vector<16xi32>,
    %dma_start3A = arith.constant 0 : i32
    %dma_start3A_272 = arith.constant 0 : i32
    %dma_start3A_273 = arith.constant 0 : i32
    %dma_start3A_274 = tpu.memref_slice %arg5[%dma_start3A, %dma_start3A_272, %dma_start3A_273] : memref<2x32x512xi32, #tpu.memory_space<vmem>> -> memref<1x32x512xi32, #tpu.memory_space<vmem>>
    %dma_start3A_275 = tpu.memref_squeeze %dma_start3A_274 : memref<1x32x512xi32, #tpu.memory_space<vmem>> -> memref<32x512xi32, #tpu.memory_space<vmem>>
    %dma_start3A_276 = arith.constant 0 : i32
    %dma_start3A_277 = tpu.memref_slice %arg2[%select_n3A, %mul3A_32, %dma_start3A_276] : memref<16x512x512xi32, #tpu.memory_space<hbm>> -> memref<1x32x512xi32, #tpu.memory_space<hbm>>
    %dma_start3A_278 = tpu.memref_squeeze %dma_start3A_277 : memref<1x32x512xi32, #tpu.memory_space<hbm>> -> memref<32x512xi32, #tpu.memory_space<hbm>>
    %dma_start3A_279 = arith.constant 0 : i32
    %dma_start3A_280 = arith.constant 0 : i32
    %dma_start3A_281 = tpu.memref_slice %arg5[%dma_start3A, %dma_start3A_279, %dma_start3A_280] : memref<2x32x512xi32, #tpu.memory_space<vmem>> -> memref<1x32x512xi32, #tpu.memory_space<vmem>>
    %dma_start3A_282 = tpu.memref_squeeze %dma_start3A_281 : memref<1x32x512xi32, #tpu.memory_space<vmem>> -> memref<32x512xi32, #tpu.memory_space<vmem>>
    %dma_start3A_283 = arith.constant 0 : i32
    %dma_start3A_284 = tpu.memref_slice %arg2[%select_n3A, %mul3A_32, %dma_start3A_283] : memref<16x512x512xi32, #tpu.memory_space<hbm>> -> memref<1x32x512xi32, #tpu.memory_space<hbm>>
    %dma_start3A_285 = tpu.memref_squeeze %dma_start3A_284 : memref<1x32x512xi32, #tpu.memory_space<hbm>> -> memref<32x512xi32, #tpu.memory_space<hbm>>
    tpu.enqueue_dma source(%dma_start3A_285 : memref<32x512xi32, #tpu.memory_space<hbm>>) target(%dma_start3A_282 : memref<32x512xi32, #tpu.memory_space<vmem>>) target_semaphore(%arg7 : memref<!tpu.dma_semaphore, #tpu.memory_space<semaphore_mem>>)
    %add3A_286 = arith.constant 32 : i32
    %add3A_287 = arith.addi %mul3A_32, %add3A_286 : i32
    %dma_start3A_288 = arith.constant 1 : i32
    %dma_start3A_289 = arith.constant 0 : i32
    %dma_start3A_290 = arith.constant 0 : i32
    %dma_start3A_291 = tpu.memref_slice %arg5[%dma_start3A_288, %dma_start3A_289, %dma_start3A_290] : memref<2x32x512xi32, #tpu.memory_space<vmem>> -> memref<1x32x512xi32, #tpu.memory_space<vmem>>
    %dma_start3A_292 = tpu.memref_squeeze %dma_start3A_291 : memref<1x32x512xi32, #tpu.memory_space<vmem>> -> memref<32x512xi32, #tpu.memory_space<vmem>>
    %dma_start3A_293 = arith.constant 0 : i32
    %dma_start3A_294 = tpu.memref_slice %arg2[%select_n3A, %add3A_287, %dma_start3A_293] : memref<16x512x512xi32, #tpu.memory_space<hbm>> -> memref<1x32x512xi32, #tpu.memory_space<hbm>>
    %dma_start3A_295 = tpu.memref_squeeze %dma_start3A_294 : memref<1x32x512xi32, #tpu.memory_space<hbm>> -> memref<32x512xi32, #tpu.memory_space<hbm>>
    %dma_start3A_296 = arith.constant 0 : i32
    %dma_start3A_297 = arith.constant 0 : i32
    %dma_start3A_298 = tpu.memref_slice %arg5[%dma_start3A_288, %dma_start3A_296, %dma_start3A_297] : memref<2x32x512xi32, #tpu.memory_space<vmem>> -> memref<1x32x512xi32, #tpu.memory_space<vmem>>
    %dma_start3A_299 = tpu.memref_squeeze %dma_start3A_298 : memref<1x32x512xi32, #tpu.memory_space<vmem>> -> memref<32x512xi32, #tpu.memory_space<vmem>>
    %dma_start3A_300 = arith.constant 0 : i32
    %dma_start3A_301 = tpu.memref_slice %arg2[%select_n3A, %add3A_287, %dma_start3A_300] : memref<16x512x512xi32, #tpu.memory_space<hbm>> -> memref<1x32x512xi32, #tpu.memory_space<hbm>>
    %dma_start3A_302 = tpu.memref_squeeze %dma_start3A_301 : memref<1x32x512xi32, #tpu.memory_space<hbm>> -> memref<32x512xi32, #tpu.memory_space<hbm>>
    tpu.enqueue_dma source(%dma_start3A_302 : memref<32x512xi32, #tpu.memory_space<hbm>>) target(%dma_start3A_299 : memref<32x512xi32, #tpu.memory_space<vmem>>) target_semaphore(%arg8 : memref<!tpu.dma_semaphore, #tpu.memory_space<semaphore_mem>>)
    %dma_wait3A = arith.constant 0 : i32
    %dma_wait3A_303 = arith.constant 0 : i32
    %dma_wait3A_304 = arith.constant 0 : i32
    %dma_wait3A_305 = tpu.memref_slice %arg5[%dma_wait3A, %dma_wait3A_303, %dma_wait3A_304] : memref<2x32x512xi32, #tpu.memory_space<vmem>> -> memref<1x32x512xi32, #tpu.memory_space<vmem>>
    %dma_wait3A_306 = tpu.memref_squeeze %dma_wait3A_305 : memref<1x32x512xi32, #tpu.memory_space<vmem>> -> memref<32x512xi32, #tpu.memory_space<vmem>>
    %dma_wait3A_307 = arith.constant 0 : i32
    %dma_wait3A_308 = tpu.memref_slice %arg2[%select_n3A, %mul3A_32, %dma_wait3A_307] : memref<16x512x512xi32, #tpu.memory_space<hbm>> -> memref<1x32x512xi32, #tpu.memory_space<hbm>>
    %dma_wait3A_309 = tpu.memref_squeeze %dma_wait3A_308 : memref<1x32x512xi32, #tpu.memory_space<hbm>> -> memref<32x512xi32, #tpu.memory_space<hbm>>
    %dma_wait3A_310 = arith.constant 0 : i32
    %dma_wait3A_311 = arith.constant 0 : i32
    %dma_wait3A_312 = tpu.memref_slice %arg5[%dma_wait3A, %dma_wait3A_310, %dma_wait3A_311] : memref<2x32x512xi32, #tpu.memory_space<vmem>> -> memref<1x32x512xi32, #tpu.memory_space<vmem>>
    %dma_wait3A_313 = tpu.memref_squeeze %dma_wait3A_312 : memref<1x32x512xi32, #tpu.memory_space<vmem>> -> memref<32x512xi32, #tpu.memory_space<vmem>>
    %dma_wait3A_314 = arith.constant 0 : i32
    %dma_wait3A_315 = tpu.memref_slice %arg2[%select_n3A, %mul3A_32, %dma_wait3A_314] : memref<16x512x512xi32, #tpu.memory_space<hbm>> -> memref<1x32x512xi32, #tpu.memory_space<hbm>>
    %dma_wait3A_316 = tpu.memref_squeeze %dma_wait3A_315 : memref<1x32x512xi32, #tpu.memory_space<hbm>> -> memref<32x512xi32, #tpu.memory_space<hbm>>
    tpu.wait_dma2 semaphore(%arg7 : memref<!tpu.dma_semaphore, #tpu.memory_space<semaphore_mem>>) src(%dma_wait3A_316 : memref<32x512xi32, #tpu.memory_space<hbm>>) dst(%dma_wait3A_313 : memref<32x512xi32, #tpu.memory_space<vmem>>)
    %parallel_loop3A = arith.constant 0 : i32
    %parallel_loop3A_317 = arith.constant 16384 : i32
    %parallel_loop3A_318 = arith.constant 16 : i32
    scf.for %parallel_loop3A_803 = %parallel_loop3A to %parallel_loop3A_317 step %parallel_loop3A_318  : i32 {
      %parallel_loop3A_804 = arith.constant 9 : i32
      %parallel_loop3A_805 = arith.shrsi %parallel_loop3A_803, %parallel_loop3A_804 : i32
      %parallel_loop3A_806 = arith.constant 511 : i32
      %parallel_loop3A_807 = arith.andi %parallel_loop3A_803, %parallel_loop3A_806 : i32
      %parallel_loop3A_808 = arith.constant 0 : i32
      %parallel_loop3A_809 = arith.index_cast %parallel_loop3A_808 : i32 to index
      %parallel_loop3A_810 = arith.index_cast %parallel_loop3A_805 : i32 to index
      %parallel_loop3A_811 = arith.index_cast %parallel_loop3A_807 : i32 to index
      %parallel_loop3A_812 = tpu.vector_load %arg5[%parallel_loop3A_809, %parallel_loop3A_810, %parallel_loop3A_811] {strides = array<i32>} : memref<2x32x512xi32, #tpu.memory_space<vmem>>, vector<16xi32>,
      %parallel_loop3A_813 = tpu.vector_load_idx %arg4[%parallel_loop3A_812] : memref<48xi32, #tpu.memory_space<vmem>>[vector<16xi32>], vector<16xi32>,
      %parallel_loop3A_814 = arith.constant 0 : i32
      %parallel_loop3A_815 = arith.index_cast %parallel_loop3A_814 : i32 to index
      %parallel_loop3A_816 = arith.index_cast %parallel_loop3A_805 : i32 to index
      %parallel_loop3A_817 = arith.index_cast %parallel_loop3A_807 : i32 to index
      %parallel_loop3A_818 = tpu.vector_load %arg6[%parallel_loop3A_815, %parallel_loop3A_816, %parallel_loop3A_817] {strides = array<i32>} : memref<2x32x512xi32, #tpu.memory_space<vmem>>, vector<16xi32>,
      tpu.vector_store %arg6[%parallel_loop3A_815, %parallel_loop3A_816, %parallel_loop3A_817], %parallel_loop3A_813 {strides = array<i32>} : memref<2x32x512xi32, #tpu.memory_space<vmem>>, vector<16xi32>,
    } {sc.loop_unroll_factor = 8 : i64, sc.parallel_access}
    %add3A_319 = arith.constant 0 : i32
    %add3A_320 = arith.addi %mul3A_32, %add3A_319 : i32
    %dma_start3A_321 = arith.constant 0 : i32
    %dma_start3A_322 = arith.constant 0 : i32
    %dma_start3A_323 = arith.constant 0 : i32
    %dma_start3A_324 = tpu.memref_slice %arg6[%dma_start3A_321, %dma_start3A_322, %dma_start3A_323] : memref<2x32x512xi32, #tpu.memory_space<vmem>> -> memref<1x32x512xi32, #tpu.memory_space<vmem>>
    %dma_start3A_325 = tpu.memref_squeeze %dma_start3A_324 : memref<1x32x512xi32, #tpu.memory_space<vmem>> -> memref<32x512xi32, #tpu.memory_space<vmem>>
    %dma_start3A_326 = arith.constant 0 : i32
    %dma_start3A_327 = tpu.memref_slice %arg3[%select_n3A, %add3A_320, %dma_start3A_326] : memref<16x512x512xi32, #tpu.memory_space<hbm>> -> memref<1x32x512xi32, #tpu.memory_space<hbm>>
    %dma_start3A_328 = tpu.memref_squeeze %dma_start3A_327 : memref<1x32x512xi32, #tpu.memory_space<hbm>> -> memref<32x512xi32, #tpu.memory_space<hbm>>
    %dma_start3A_329 = arith.constant 0 : i32
    %dma_start3A_330 = tpu.memref_slice %arg3[%select_n3A, %add3A_320, %dma_start3A_329] : memref<16x512x512xi32, #tpu.memory_space<hbm>> -> memref<1x32x512xi32, #tpu.memory_space<hbm>>
    %dma_start3A_331 = tpu.memref_squeeze %dma_start3A_330 : memref<1x32x512xi32, #tpu.memory_space<hbm>> -> memref<32x512xi32, #tpu.memory_space<hbm>>
    %dma_start3A_332 = arith.constant 0 : i32
    %dma_start3A_333 = arith.constant 0 : i32
    %dma_start3A_334 = tpu.memref_slice %arg6[%dma_start3A_321, %dma_start3A_332, %dma_start3A_333] : memref<2x32x512xi32, #tpu.memory_space<vmem>> -> memref<1x32x512xi32, #tpu.memory_space<vmem>>
    %dma_start3A_335 = tpu.memref_squeeze %dma_start3A_334 : memref<1x32x512xi32, #tpu.memory_space<vmem>> -> memref<32x512xi32, #tpu.memory_space<vmem>>
    tpu.enqueue_dma source(%dma_start3A_335 : memref<32x512xi32, #tpu.memory_space<vmem>>) target(%dma_start3A_331 : memref<32x512xi32, #tpu.memory_space<hbm>>) target_semaphore(%arg9 : memref<!tpu.dma_semaphore, #tpu.memory_space<semaphore_mem>>)
    %add3A_336 = arith.constant 64 : i32
    %add3A_337 = arith.addi %mul3A_32, %add3A_336 : i32
    %dma_start3A_338 = arith.constant 0 : i32
    %dma_start3A_339 = arith.constant 0 : i32
    %dma_start3A_340 = arith.constant 0 : i32
    %dma_start3A_341 = tpu.memref_slice %arg5[%dma_start3A_338, %dma_start3A_339, %dma_start3A_340] : memref<2x32x512xi32, #tpu.memory_space<vmem>> -> memref<1x32x512xi32, #tpu.memory_space<vmem>>
    %dma_start3A_342 = tpu.memref_squeeze %dma_start3A_341 : memref<1x32x512xi32, #tpu.memory_space<vmem>> -> memref<32x512xi32, #tpu.memory_space<vmem>>
    %dma_start3A_343 = arith.constant 0 : i32
    %dma_start3A_344 = tpu.memref_slice %arg2[%select_n3A, %add3A_337, %dma_start3A_343] : memref<16x512x512xi32, #tpu.memory_space<hbm>> -> memref<1x32x512xi32, #tpu.memory_space<hbm>>
    %dma_start3A_345 = tpu.memref_squeeze %dma_start3A_344 : memref<1x32x512xi32, #tpu.memory_space<hbm>> -> memref<32x512xi32, #tpu.memory_space<hbm>>
    %dma_start3A_346 = arith.constant 0 : i32
    %dma_start3A_347 = arith.constant 0 : i32
    %dma_start3A_348 = tpu.memref_slice %arg5[%dma_start3A_338, %dma_start3A_346, %dma_start3A_347] : memref<2x32x512xi32, #tpu.memory_space<vmem>> -> memref<1x32x512xi32, #tpu.memory_space<vmem>>
    %dma_start3A_349 = tpu.memref_squeeze %dma_start3A_348 : memref<1x32x512xi32, #tpu.memory_space<vmem>> -> memref<32x512xi32, #tpu.memory_space<vmem>>
    %dma_start3A_350 = arith.constant 0 : i32
    %dma_start3A_351 = tpu.memref_slice %arg2[%select_n3A, %add3A_337, %dma_start3A_350] : memref<16x512x512xi32, #tpu.memory_space<hbm>> -> memref<1x32x512xi32, #tpu.memory_space<hbm>>
    %dma_start3A_352 = tpu.memref_squeeze %dma_start3A_351 : memref<1x32x512xi32, #tpu.memory_space<hbm>> -> memref<32x512xi32, #tpu.memory_space<hbm>>
    tpu.enqueue_dma source(%dma_start3A_352 : memref<32x512xi32, #tpu.memory_space<hbm>>) target(%dma_start3A_349 : memref<32x512xi32, #tpu.memory_space<vmem>>) target_semaphore(%arg7 : memref<!tpu.dma_semaphore, #tpu.memory_space<semaphore_mem>>)
    %dma_wait3A_353 = arith.constant 1 : i32
    %dma_wait3A_354 = arith.constant 0 : i32
    %dma_wait3A_355 = arith.constant 0 : i32
    %dma_wait3A_356 = tpu.memref_slice %arg5[%dma_wait3A_353, %dma_wait3A_354, %dma_wait3A_355] : memref<2x32x512xi32, #tpu.memory_space<vmem>> -> memref<1x32x512xi32, #tpu.memory_space<vmem>>
    %dma_wait3A_357 = tpu.memref_squeeze %dma_wait3A_356 : memref<1x32x512xi32, #tpu.memory_space<vmem>> -> memref<32x512xi32, #tpu.memory_space<vmem>>
    %dma_wait3A_358 = arith.constant 0 : i32
    %dma_wait3A_359 = tpu.memref_slice %arg2[%select_n3A, %add3A_287, %dma_wait3A_358] : memref<16x512x512xi32, #tpu.memory_space<hbm>> -> memref<1x32x512xi32, #tpu.memory_space<hbm>>
    %dma_wait3A_360 = tpu.memref_squeeze %dma_wait3A_359 : memref<1x32x512xi32, #tpu.memory_space<hbm>> -> memref<32x512xi32, #tpu.memory_space<hbm>>
    %dma_wait3A_361 = arith.constant 0 : i32
    %dma_wait3A_362 = arith.constant 0 : i32
    %dma_wait3A_363 = tpu.memref_slice %arg5[%dma_wait3A_353, %dma_wait3A_361, %dma_wait3A_362] : memref<2x32x512xi32, #tpu.memory_space<vmem>> -> memref<1x32x512xi32, #tpu.memory_space<vmem>>
    %dma_wait3A_364 = tpu.memref_squeeze %dma_wait3A_363 : memref<1x32x512xi32, #tpu.memory_space<vmem>> -> memref<32x512xi32, #tpu.memory_space<vmem>>
    %dma_wait3A_365 = arith.constant 0 : i32
    %dma_wait3A_366 = tpu.memref_slice %arg2[%select_n3A, %add3A_287, %dma_wait3A_365] : memref<16x512x512xi32, #tpu.memory_space<hbm>> -> memref<1x32x512xi32, #tpu.memory_space<hbm>>
    %dma_wait3A_367 = tpu.memref_squeeze %dma_wait3A_366 : memref<1x32x512xi32, #tpu.memory_space<hbm>> -> memref<32x512xi32, #tpu.memory_space<hbm>>
    tpu.wait_dma2 semaphore(%arg8 : memref<!tpu.dma_semaphore, #tpu.memory_space<semaphore_mem>>) src(%dma_wait3A_367 : memref<32x512xi32, #tpu.memory_space<hbm>>) dst(%dma_wait3A_364 : memref<32x512xi32, #tpu.memory_space<vmem>>)
    %parallel_loop3A_368 = arith.constant 0 : i32
    %parallel_loop3A_369 = arith.constant 16384 : i32
    %parallel_loop3A_370 = arith.constant 16 : i32
    scf.for %parallel_loop3A_803 = %parallel_loop3A_368 to %parallel_loop3A_369 step %parallel_loop3A_370  : i32 {
      %parallel_loop3A_804 = arith.constant 9 : i32
      %parallel_loop3A_805 = arith.shrsi %parallel_loop3A_803, %parallel_loop3A_804 : i32
      %parallel_loop3A_806 = arith.constant 511 : i32
      %parallel_loop3A_807 = arith.andi %parallel_loop3A_803, %parallel_loop3A_806 : i32
      %parallel_loop3A_808 = arith.constant 1 : i32
      %parallel_loop3A_809 = arith.index_cast %parallel_loop3A_808 : i32 to index
      %parallel_loop3A_810 = arith.index_cast %parallel_loop3A_805 : i32 to index
      %parallel_loop3A_811 = arith.index_cast %parallel_loop3A_807 : i32 to index
      %parallel_loop3A_812 = tpu.vector_load %arg5[%parallel_loop3A_809, %parallel_loop3A_810, %parallel_loop3A_811] {strides = array<i32>} : memref<2x32x512xi32, #tpu.memory_space<vmem>>, vector<16xi32>,
      %parallel_loop3A_813 = tpu.vector_load_idx %arg4[%parallel_loop3A_812] : memref<48xi32, #tpu.memory_space<vmem>>[vector<16xi32>], vector<16xi32>,
      %parallel_loop3A_814 = arith.constant 1 : i32
      %parallel_loop3A_815 = arith.index_cast %parallel_loop3A_814 : i32 to index
      %parallel_loop3A_816 = arith.index_cast %parallel_loop3A_805 : i32 to index
      %parallel_loop3A_817 = arith.index_cast %parallel_loop3A_807 : i32 to index
      %parallel_loop3A_818 = tpu.vector_load %arg6[%parallel_loop3A_815, %parallel_loop3A_816, %parallel_loop3A_817] {strides = array<i32>} : memref<2x32x512xi32, #tpu.memory_space<vmem>>, vector<16xi32>,
      tpu.vector_store %arg6[%parallel_loop3A_815, %parallel_loop3A_816, %parallel_loop3A_817], %parallel_loop3A_813 {strides = array<i32>} : memref<2x32x512xi32, #tpu.memory_space<vmem>>, vector<16xi32>,
    } {sc.loop_unroll_factor = 8 : i64, sc.parallel_access}
    %add3A_371 = arith.constant 32 : i32
    %add3A_372 = arith.addi %mul3A_32, %add3A_371 : i32
    %dma_start3A_373 = arith.constant 1 : i32
    %dma_start3A_374 = arith.constant 0 : i32
    %dma_start3A_375 = arith.constant 0 : i32
    %dma_start3A_376 = tpu.memref_slice %arg6[%dma_start3A_373, %dma_start3A_374, %dma_start3A_375] : memref<2x32x512xi32, #tpu.memory_space<vmem>> -> memref<1x32x512xi32, #tpu.memory_space<vmem>>
    %dma_start3A_377 = tpu.memref_squeeze %dma_start3A_376 : memref<1x32x512xi32, #tpu.memory_space<vmem>> -> memref<32x512xi32, #tpu.memory_space<vmem>>
    %dma_start3A_378 = arith.constant 0 : i32
    %dma_start3A_379 = tpu.memref_slice %arg3[%select_n3A, %add3A_372, %dma_start3A_378] : memref<16x512x512xi32, #tpu.memory_space<hbm>> -> memref<1x32x512xi32, #tpu.memory_space<hbm>>
    %dma_start3A_380 = tpu.memref_squeeze %dma_start3A_379 : memref<1x32x512xi32, #tpu.memory_space<hbm>> -> memref<32x512xi32, #tpu.memory_space<hbm>>
    %dma_start3A_381 = arith.constant 0 : i32
    %dma_start3A_382 = tpu.memref_slice %arg3[%select_n3A, %add3A_372, %dma_start3A_381] : memref<16x512x512xi32, #tpu.memory_space<hbm>> -> memref<1x32x512xi32, #tpu.memory_space<hbm>>
    %dma_start3A_383 = tpu.memref_squeeze %dma_start3A_382 : memref<1x32x512xi32, #tpu.memory_space<hbm>> -> memref<32x512xi32, #tpu.memory_space<hbm>>
    %dma_start3A_384 = arith.constant 0 : i32
    %dma_start3A_385 = arith.constant 0 : i32
    %dma_start3A_386 = tpu.memref_slice %arg6[%dma_start3A_373, %dma_start3A_384, %dma_start3A_385] : memref<2x32x512xi32, #tpu.memory_space<vmem>> -> memref<1x32x512xi32, #tpu.memory_space<vmem>>
    %dma_start3A_387 = tpu.memref_squeeze %dma_start3A_386 : memref<1x32x512xi32, #tpu.memory_space<vmem>> -> memref<32x512xi32, #tpu.memory_space<vmem>>
    tpu.enqueue_dma source(%dma_start3A_387 : memref<32x512xi32, #tpu.memory_space<vmem>>) target(%dma_start3A_383 : memref<32x512xi32, #tpu.memory_space<hbm>>) target_semaphore(%arg10 : memref<!tpu.dma_semaphore, #tpu.memory_space<semaphore_mem>>)
    %add3A_388 = arith.constant 96 : i32
    %add3A_389 = arith.addi %mul3A_32, %add3A_388 : i32
    %dma_start3A_390 = arith.constant 1 : i32
    %dma_start3A_391 = arith.constant 0 : i32
    %dma_start3A_392 = arith.constant 0 : i32
    %dma_start3A_393 = tpu.memref_slice %arg5[%dma_start3A_390, %dma_start3A_391, %dma_start3A_392] : memref<2x32x512xi32, #tpu.memory_space<vmem>> -> memref<1x32x512xi32, #tpu.memory_space<vmem>>
    %dma_start3A_394 = tpu.memref_squeeze %dma_start3A_393 : memref<1x32x512xi32, #tpu.memory_space<vmem>> -> memref<32x512xi32, #tpu.memory_space<vmem>>
    %dma_start3A_395 = arith.constant 0 : i32
    %dma_start3A_396 = tpu.memref_slice %arg2[%select_n3A, %add3A_389, %dma_start3A_395] : memref<16x512x512xi32, #tpu.memory_space<hbm>> -> memref<1x32x512xi32, #tpu.memory_space<hbm>>
    %dma_start3A_397 = tpu.memref_squeeze %dma_start3A_396 : memref<1x32x512xi32, #tpu.memory_space<hbm>> -> memref<32x512xi32, #tpu.memory_space<hbm>>
    %dma_start3A_398 = arith.constant 0 : i32
    %dma_start3A_399 = arith.constant 0 : i32
    %dma_start3A_400 = tpu.memref_slice %arg5[%dma_start3A_390, %dma_start3A_398, %dma_start3A_399] : memref<2x32x512xi32, #tpu.memory_space<vmem>> -> memref<1x32x512xi32, #tpu.memory_space<vmem>>
    %dma_start3A_401 = tpu.memref_squeeze %dma_start3A_400 : memref<1x32x512xi32, #tpu.memory_space<vmem>> -> memref<32x512xi32, #tpu.memory_space<vmem>>
    %dma_start3A_402 = arith.constant 0 : i32
    %dma_start3A_403 = tpu.memref_slice %arg2[%select_n3A, %add3A_389, %dma_start3A_402] : memref<16x512x512xi32, #tpu.memory_space<hbm>> -> memref<1x32x512xi32, #tpu.memory_space<hbm>>
    %dma_start3A_404 = tpu.memref_squeeze %dma_start3A_403 : memref<1x32x512xi32, #tpu.memory_space<hbm>> -> memref<32x512xi32, #tpu.memory_space<hbm>>
    tpu.enqueue_dma source(%dma_start3A_404 : memref<32x512xi32, #tpu.memory_space<hbm>>) target(%dma_start3A_401 : memref<32x512xi32, #tpu.memory_space<vmem>>) target_semaphore(%arg8 : memref<!tpu.dma_semaphore, #tpu.memory_space<semaphore_mem>>)
    %dma_wait3A_405 = arith.constant 0 : i32
    %dma_wait3A_406 = arith.constant 0 : i32
    %dma_wait3A_407 = arith.constant 0 : i32
    %dma_wait3A_408 = tpu.memref_slice %arg5[%dma_wait3A_405, %dma_wait3A_406, %dma_wait3A_407] : memref<2x32x512xi32, #tpu.memory_space<vmem>> -> memref<1x32x512xi32, #tpu.memory_space<vmem>>
    %dma_wait3A_409 = tpu.memref_squeeze %dma_wait3A_408 : memref<1x32x512xi32, #tpu.memory_space<vmem>> -> memref<32x512xi32, #tpu.memory_space<vmem>>
    %dma_wait3A_410 = arith.constant 0 : i32
    %dma_wait3A_411 = tpu.memref_slice %arg2[%select_n3A, %add3A_337, %dma_wait3A_410] : memref<16x512x512xi32, #tpu.memory_space<hbm>> -> memref<1x32x512xi32, #tpu.memory_space<hbm>>
    %dma_wait3A_412 = tpu.memref_squeeze %dma_wait3A_411 : memref<1x32x512xi32, #tpu.memory_space<hbm>> -> memref<32x512xi32, #tpu.memory_space<hbm>>
    %dma_wait3A_413 = arith.constant 0 : i32
    %dma_wait3A_414 = arith.constant 0 : i32
    %dma_wait3A_415 = tpu.memref_slice %arg5[%dma_wait3A_405, %dma_wait3A_413, %dma_wait3A_414] : memref<2x32x512xi32, #tpu.memory_space<vmem>> -> memref<1x32x512xi32, #tpu.memory_space<vmem>>
    %dma_wait3A_416 = tpu.memref_squeeze %dma_wait3A_415 : memref<1x32x512xi32, #tpu.memory_space<vmem>> -> memref<32x512xi32, #tpu.memory_space<vmem>>
    %dma_wait3A_417 = arith.constant 0 : i32
    %dma_wait3A_418 = tpu.memref_slice %arg2[%select_n3A, %add3A_337, %dma_wait3A_417] : memref<16x512x512xi32, #tpu.memory_space<hbm>> -> memref<1x32x512xi32, #tpu.memory_space<hbm>>
    %dma_wait3A_419 = tpu.memref_squeeze %dma_wait3A_418 : memref<1x32x512xi32, #tpu.memory_space<hbm>> -> memref<32x512xi32, #tpu.memory_space<hbm>>
    tpu.wait_dma2 semaphore(%arg7 : memref<!tpu.dma_semaphore, #tpu.memory_space<semaphore_mem>>) src(%dma_wait3A_419 : memref<32x512xi32, #tpu.memory_space<hbm>>) dst(%dma_wait3A_416 : memref<32x512xi32, #tpu.memory_space<vmem>>)
    %dma_wait3A_420 = arith.constant 0 : i32
    %dma_wait3A_421 = arith.constant 0 : i32
    %dma_wait3A_422 = arith.constant 0 : i32
    %dma_wait3A_423 = tpu.memref_slice %arg6[%dma_wait3A_420, %dma_wait3A_421, %dma_wait3A_422] : memref<2x32x512xi32, #tpu.memory_space<vmem>> -> memref<1x32x512xi32, #tpu.memory_space<vmem>>
    %dma_wait3A_424 = tpu.memref_squeeze %dma_wait3A_423 : memref<1x32x512xi32, #tpu.memory_space<vmem>> -> memref<32x512xi32, #tpu.memory_space<vmem>>
    %dma_wait3A_425 = arith.constant 0 : i32
    %dma_wait3A_426 = tpu.memref_slice %arg3[%select_n3A, %add3A_320, %dma_wait3A_425] : memref<16x512x512xi32, #tpu.memory_space<hbm>> -> memref<1x32x512xi32, #tpu.memory_space<hbm>>
    %dma_wait3A_427 = tpu.memref_squeeze %dma_wait3A_426 : memref<1x32x512xi32, #tpu.memory_space<hbm>> -> memref<32x512xi32, #tpu.memory_space<hbm>>
    %dma_wait3A_428 = arith.constant 0 : i32
    %dma_wait3A_429 = tpu.memref_slice %arg3[%select_n3A, %add3A_320, %dma_wait3A_428] : memref<16x512x512xi32, #tpu.memory_space<hbm>> -> memref<1x32x512xi32, #tpu.memory_space<hbm>>
    %dma_wait3A_430 = tpu.memref_squeeze %dma_wait3A_429 : memref<1x32x512xi32, #tpu.memory_space<hbm>> -> memref<32x512xi32, #tpu.memory_space<hbm>>
    %dma_wait3A_431 = arith.constant 0 : i32
    %dma_wait3A_432 = arith.constant 0 : i32
    %dma_wait3A_433 = tpu.memref_slice %arg6[%dma_wait3A_420, %dma_wait3A_431, %dma_wait3A_432] : memref<2x32x512xi32, #tpu.memory_space<vmem>> -> memref<1x32x512xi32, #tpu.memory_space<vmem>>
    %dma_wait3A_434 = tpu.memref_squeeze %dma_wait3A_433 : memref<1x32x512xi32, #tpu.memory_space<vmem>> -> memref<32x512xi32, #tpu.memory_space<vmem>>
    tpu.wait_dma2 semaphore(%arg9 : memref<!tpu.dma_semaphore, #tpu.memory_space<semaphore_mem>>) src(%dma_wait3A_434 : memref<32x512xi32, #tpu.memory_space<vmem>>) dst(%dma_wait3A_430 : memref<32x512xi32, #tpu.memory_space<hbm>>)
    %parallel_loop3A_435 = arith.constant 0 : i32
    %parallel_loop3A_436 = arith.constant 16384 : i32
    %parallel_loop3A_437 = arith.constant 16 : i32
    scf.for %parallel_loop3A_803 = %parallel_loop3A_435 to %parallel_loop3A_436 step %parallel_loop3A_437  : i32 {
      %parallel_loop3A_804 = arith.constant 9 : i32
      %parallel_loop3A_805 = arith.shrsi %parallel_loop3A_803, %parallel_loop3A_804 : i32
      %parallel_loop3A_806 = arith.constant 511 : i32
      %parallel_loop3A_807 = arith.andi %parallel_loop3A_803, %parallel_loop3A_806 : i32
      %parallel_loop3A_808 = arith.constant 0 : i32
      %parallel_loop3A_809 = arith.index_cast %parallel_loop3A_808 : i32 to index
      %parallel_loop3A_810 = arith.index_cast %parallel_loop3A_805 : i32 to index
      %parallel_loop3A_811 = arith.index_cast %parallel_loop3A_807 : i32 to index
      %parallel_loop3A_812 = tpu.vector_load %arg5[%parallel_loop3A_809, %parallel_loop3A_810, %parallel_loop3A_811] {strides = array<i32>} : memref<2x32x512xi32, #tpu.memory_space<vmem>>, vector<16xi32>,
      %parallel_loop3A_813 = tpu.vector_load_idx %arg4[%parallel_loop3A_812] : memref<48xi32, #tpu.memory_space<vmem>>[vector<16xi32>], vector<16xi32>,
      %parallel_loop3A_814 = arith.constant 0 : i32
      %parallel_loop3A_815 = arith.index_cast %parallel_loop3A_814 : i32 to index
      %parallel_loop3A_816 = arith.index_cast %parallel_loop3A_805 : i32 to index
      %parallel_loop3A_817 = arith.index_cast %parallel_loop3A_807 : i32 to index
      %parallel_loop3A_818 = tpu.vector_load %arg6[%parallel_loop3A_815, %parallel_loop3A_816, %parallel_loop3A_817] {strides = array<i32>} : memref<2x32x512xi32, #tpu.memory_space<vmem>>, vector<16xi32>,
      tpu.vector_store %arg6[%parallel_loop3A_815, %parallel_loop3A_816, %parallel_loop3A_817], %parallel_loop3A_813 {strides = array<i32>} : memref<2x32x512xi32, #tpu.memory_space<vmem>>, vector<16xi32>,
    } {sc.loop_unroll_factor = 8 : i64, sc.parallel_access}
    %add3A_438 = arith.constant 64 : i32
    %add3A_439 = arith.addi %mul3A_32, %add3A_438 : i32
    %dma_start3A_440 = arith.constant 0 : i32
    %dma_start3A_441 = arith.constant 0 : i32
    %dma_start3A_442 = arith.constant 0 : i32
    %dma_start3A_443 = tpu.memref_slice %arg6[%dma_start3A_440, %dma_start3A_441, %dma_start3A_442] : memref<2x32x512xi32, #tpu.memory_space<vmem>> -> memref<1x32x512xi32, #tpu.memory_space<vmem>>
    %dma_start3A_444 = tpu.memref_squeeze %dma_start3A_443 : memref<1x32x512xi32, #tpu.memory_space<vmem>> -> memref<32x512xi32, #tpu.memory_space<vmem>>
    %dma_start3A_445 = arith.constant 0 : i32
    %dma_start3A_446 = tpu.memref_slice %arg3[%select_n3A, %add3A_439, %dma_start3A_445] : memref<16x512x512xi32, #tpu.memory_space<hbm>> -> memref<1x32x512xi32, #tpu.memory_space<hbm>>
    %dma_start3A_447 = tpu.memref_squeeze %dma_start3A_446 : memref<1x32x512xi32, #tpu.memory_space<hbm>> -> memref<32x512xi32, #tpu.memory_space<hbm>>
    %dma_start3A_448 = arith.constant 0 : i32
    %dma_start3A_449 = tpu.memref_slice %arg3[%select_n3A, %add3A_439, %dma_start3A_448] : memref<16x512x512xi32, #tpu.memory_space<hbm>> -> memref<1x32x512xi32, #tpu.memory_space<hbm>>
    %dma_start3A_450 = tpu.memref_squeeze %dma_start3A_449 : memref<1x32x512xi32, #tpu.memory_space<hbm>> -> memref<32x512xi32, #tpu.memory_space<hbm>>
    %dma_start3A_451 = arith.constant 0 : i32
    %dma_start3A_452 = arith.constant 0 : i32
    %dma_start3A_453 = tpu.memref_slice %arg6[%dma_start3A_440, %dma_start3A_451, %dma_start3A_452] : memref<2x32x512xi32, #tpu.memory_space<vmem>> -> memref<1x32x512xi32, #tpu.memory_space<vmem>>
    %dma_start3A_454 = tpu.memref_squeeze %dma_start3A_453 : memref<1x32x512xi32, #tpu.memory_space<vmem>> -> memref<32x512xi32, #tpu.memory_space<vmem>>
    tpu.enqueue_dma source(%dma_start3A_454 : memref<32x512xi32, #tpu.memory_space<vmem>>) target(%dma_start3A_450 : memref<32x512xi32, #tpu.memory_space<hbm>>) target_semaphore(%arg9 : memref<!tpu.dma_semaphore, #tpu.memory_space<semaphore_mem>>)
    %add3A_455 = arith.constant 128 : i32
    %add3A_456 = arith.addi %mul3A_32, %add3A_455 : i32
    %dma_start3A_457 = arith.constant 0 : i32
    %dma_start3A_458 = arith.constant 0 : i32
    %dma_start3A_459 = arith.constant 0 : i32
    %dma_start3A_460 = tpu.memref_slice %arg5[%dma_start3A_457, %dma_start3A_458, %dma_start3A_459] : memref<2x32x512xi32, #tpu.memory_space<vmem>> -> memref<1x32x512xi32, #tpu.memory_space<vmem>>
    %dma_start3A_461 = tpu.memref_squeeze %dma_start3A_460 : memref<1x32x512xi32, #tpu.memory_space<vmem>> -> memref<32x512xi32, #tpu.memory_space<vmem>>
    %dma_start3A_462 = arith.constant 0 : i32
    %dma_start3A_463 = tpu.memref_slice %arg2[%select_n3A, %add3A_456, %dma_start3A_462] : memref<16x512x512xi32, #tpu.memory_space<hbm>> -> memref<1x32x512xi32, #tpu.memory_space<hbm>>
    %dma_start3A_464 = tpu.memref_squeeze %dma_start3A_463 : memref<1x32x512xi32, #tpu.memory_space<hbm>> -> memref<32x512xi32, #tpu.memory_space<hbm>>
    %dma_start3A_465 = arith.constant 0 : i32
    %dma_start3A_466 = arith.constant 0 : i32
    %dma_start3A_467 = tpu.memref_slice %arg5[%dma_start3A_457, %dma_start3A_465, %dma_start3A_466] : memref<2x32x512xi32, #tpu.memory_space<vmem>> -> memref<1x32x512xi32, #tpu.memory_space<vmem>>
    %dma_start3A_468 = tpu.memref_squeeze %dma_start3A_467 : memref<1x32x512xi32, #tpu.memory_space<vmem>> -> memref<32x512xi32, #tpu.memory_space<vmem>>
    %dma_start3A_469 = arith.constant 0 : i32
    %dma_start3A_470 = tpu.memref_slice %arg2[%select_n3A, %add3A_456, %dma_start3A_469] : memref<16x512x512xi32, #tpu.memory_space<hbm>> -> memref<1x32x512xi32, #tpu.memory_space<hbm>>
    %dma_start3A_471 = tpu.memref_squeeze %dma_start3A_470 : memref<1x32x512xi32, #tpu.memory_space<hbm>> -> memref<32x512xi32, #tpu.memory_space<hbm>>
    tpu.enqueue_dma source(%dma_start3A_471 : memref<32x512xi32, #tpu.memory_space<hbm>>) target(%dma_start3A_468 : memref<32x512xi32, #tpu.memory_space<vmem>>) target_semaphore(%arg7 : memref<!tpu.dma_semaphore, #tpu.memory_space<semaphore_mem>>)
    %dma_wait3A_472 = arith.constant 1 : i32
    %dma_wait3A_473 = arith.constant 0 : i32
    %dma_wait3A_474 = arith.constant 0 : i32
    %dma_wait3A_475 = tpu.memref_slice %arg5[%dma_wait3A_472, %dma_wait3A_473, %dma_wait3A_474] : memref<2x32x512xi32, #tpu.memory_space<vmem>> -> memref<1x32x512xi32, #tpu.memory_space<vmem>>
    %dma_wait3A_476 = tpu.memref_squeeze %dma_wait3A_475 : memref<1x32x512xi32, #tpu.memory_space<vmem>> -> memref<32x512xi32, #tpu.memory_space<vmem>>
    %dma_wait3A_477 = arith.constant 0 : i32
    %dma_wait3A_478 = tpu.memref_slice %arg2[%select_n3A, %add3A_389, %dma_wait3A_477] : memref<16x512x512xi32, #tpu.memory_space<hbm>> -> memref<1x32x512xi32, #tpu.memory_space<hbm>>
    %dma_wait3A_479 = tpu.memref_squeeze %dma_wait3A_478 : memref<1x32x512xi32, #tpu.memory_space<hbm>> -> memref<32x512xi32, #tpu.memory_space<hbm>>
    %dma_wait3A_480 = arith.constant 0 : i32
    %dma_wait3A_481 = arith.constant 0 : i32
    %dma_wait3A_482 = tpu.memref_slice %arg5[%dma_wait3A_472, %dma_wait3A_480, %dma_wait3A_481] : memref<2x32x512xi32, #tpu.memory_space<vmem>> -> memref<1x32x512xi32, #tpu.memory_space<vmem>>
    %dma_wait3A_483 = tpu.memref_squeeze %dma_wait3A_482 : memref<1x32x512xi32, #tpu.memory_space<vmem>> -> memref<32x512xi32, #tpu.memory_space<vmem>>
    %dma_wait3A_484 = arith.constant 0 : i32
    %dma_wait3A_485 = tpu.memref_slice %arg2[%select_n3A, %add3A_389, %dma_wait3A_484] : memref<16x512x512xi32, #tpu.memory_space<hbm>> -> memref<1x32x512xi32, #tpu.memory_space<hbm>>
    %dma_wait3A_486 = tpu.memref_squeeze %dma_wait3A_485 : memref<1x32x512xi32, #tpu.memory_space<hbm>> -> memref<32x512xi32, #tpu.memory_space<hbm>>
    tpu.wait_dma2 semaphore(%arg8 : memref<!tpu.dma_semaphore, #tpu.memory_space<semaphore_mem>>) src(%dma_wait3A_486 : memref<32x512xi32, #tpu.memory_space<hbm>>) dst(%dma_wait3A_483 : memref<32x512xi32, #tpu.memory_space<vmem>>)
    %dma_wait3A_487 = arith.constant 1 : i32
    %dma_wait3A_488 = arith.constant 0 : i32
    %dma_wait3A_489 = arith.constant 0 : i32
    %dma_wait3A_490 = tpu.memref_slice %arg6[%dma_wait3A_487, %dma_wait3A_488, %dma_wait3A_489] : memref<2x32x512xi32, #tpu.memory_space<vmem>> -> memref<1x32x512xi32, #tpu.memory_space<vmem>>
    %dma_wait3A_491 = tpu.memref_squeeze %dma_wait3A_490 : memref<1x32x512xi32, #tpu.memory_space<vmem>> -> memref<32x512xi32, #tpu.memory_space<vmem>>
    %dma_wait3A_492 = arith.constant 0 : i32
    %dma_wait3A_493 = tpu.memref_slice %arg3[%select_n3A, %add3A_372, %dma_wait3A_492] : memref<16x512x512xi32, #tpu.memory_space<hbm>> -> memref<1x32x512xi32, #tpu.memory_space<hbm>>
    %dma_wait3A_494 = tpu.memref_squeeze %dma_wait3A_493 : memref<1x32x512xi32, #tpu.memory_space<hbm>> -> memref<32x512xi32, #tpu.memory_space<hbm>>
    %dma_wait3A_495 = arith.constant 0 : i32
    %dma_wait3A_496 = tpu.memref_slice %arg3[%select_n3A, %add3A_372, %dma_wait3A_495] : memref<16x512x512xi32, #tpu.memory_space<hbm>> -> memref<1x32x512xi32, #tpu.memory_space<hbm>>
    %dma_wait3A_497 = tpu.memref_squeeze %dma_wait3A_496 : memref<1x32x512xi32, #tpu.memory_space<hbm>> -> memref<32x512xi32, #tpu.memory_space<hbm>>
    %dma_wait3A_498 = arith.constant 0 : i32
    %dma_wait3A_499 = arith.constant 0 : i32
    %dma_wait3A_500 = tpu.memref_slice %arg6[%dma_wait3A_487, %dma_wait3A_498, %dma_wait3A_499] : memref<2x32x512xi32, #tpu.memory_space<vmem>> -> memref<1x32x512xi32, #tpu.memory_space<vmem>>
    %dma_wait3A_501 = tpu.memref_squeeze %dma_wait3A_500 : memref<1x32x512xi32, #tpu.memory_space<vmem>> -> memref<32x512xi32, #tpu.memory_space<vmem>>
    tpu.wait_dma2 semaphore(%arg10 : memref<!tpu.dma_semaphore, #tpu.memory_space<semaphore_mem>>) src(%dma_wait3A_501 : memref<32x512xi32, #tpu.memory_space<vmem>>) dst(%dma_wait3A_497 : memref<32x512xi32, #tpu.memory_space<hbm>>)
    %parallel_loop3A_502 = arith.constant 0 : i32
    %parallel_loop3A_503 = arith.constant 16384 : i32
    %parallel_loop3A_504 = arith.constant 16 : i32
    scf.for %parallel_loop3A_803 = %parallel_loop3A_502 to %parallel_loop3A_503 step %parallel_loop3A_504  : i32 {
      %parallel_loop3A_804 = arith.constant 9 : i32
      %parallel_loop3A_805 = arith.shrsi %parallel_loop3A_803, %parallel_loop3A_804 : i32
      %parallel_loop3A_806 = arith.constant 511 : i32
      %parallel_loop3A_807 = arith.andi %parallel_loop3A_803, %parallel_loop3A_806 : i32
      %parallel_loop3A_808 = arith.constant 1 : i32
      %parallel_loop3A_809 = arith.index_cast %parallel_loop3A_808 : i32 to index
      %parallel_loop3A_810 = arith.index_cast %parallel_loop3A_805 : i32 to index
      %parallel_loop3A_811 = arith.index_cast %parallel_loop3A_807 : i32 to index
      %parallel_loop3A_812 = tpu.vector_load %arg5[%parallel_loop3A_809, %parallel_loop3A_810, %parallel_loop3A_811] {strides = array<i32>} : memref<2x32x512xi32, #tpu.memory_space<vmem>>, vector<16xi32>,
      %parallel_loop3A_813 = tpu.vector_load_idx %arg4[%parallel_loop3A_812] : memref<48xi32, #tpu.memory_space<vmem>>[vector<16xi32>], vector<16xi32>,
      %parallel_loop3A_814 = arith.constant 1 : i32
      %parallel_loop3A_815 = arith.index_cast %parallel_loop3A_814 : i32 to index
      %parallel_loop3A_816 = arith.index_cast %parallel_loop3A_805 : i32 to index
      %parallel_loop3A_817 = arith.index_cast %parallel_loop3A_807 : i32 to index
      %parallel_loop3A_818 = tpu.vector_load %arg6[%parallel_loop3A_815, %parallel_loop3A_816, %parallel_loop3A_817] {strides = array<i32>} : memref<2x32x512xi32, #tpu.memory_space<vmem>>, vector<16xi32>,
      tpu.vector_store %arg6[%parallel_loop3A_815, %parallel_loop3A_816, %parallel_loop3A_817], %parallel_loop3A_813 {strides = array<i32>} : memref<2x32x512xi32, #tpu.memory_space<vmem>>, vector<16xi32>,
    } {sc.loop_unroll_factor = 8 : i64, sc.parallel_access}
    %add3A_505 = arith.constant 96 : i32
    %add3A_506 = arith.addi %mul3A_32, %add3A_505 : i32
    %dma_start3A_507 = arith.constant 1 : i32
    %dma_start3A_508 = arith.constant 0 : i32
    %dma_start3A_509 = arith.constant 0 : i32
    %dma_start3A_510 = tpu.memref_slice %arg6[%dma_start3A_507, %dma_start3A_508, %dma_start3A_509] : memref<2x32x512xi32, #tpu.memory_space<vmem>> -> memref<1x32x512xi32, #tpu.memory_space<vmem>>
    %dma_start3A_511 = tpu.memref_squeeze %dma_start3A_510 : memref<1x32x512xi32, #tpu.memory_space<vmem>> -> memref<32x512xi32, #tpu.memory_space<vmem>>
    %dma_start3A_512 = arith.constant 0 : i32
    %dma_start3A_513 = tpu.memref_slice %arg3[%select_n3A, %add3A_506, %dma_start3A_512] : memref<16x512x512xi32, #tpu.memory_space<hbm>> -> memref<1x32x512xi32, #tpu.memory_space<hbm>>
    %dma_start3A_514 = tpu.memref_squeeze %dma_start3A_513 : memref<1x32x512xi32, #tpu.memory_space<hbm>> -> memref<32x512xi32, #tpu.memory_space<hbm>>
    %dma_start3A_515 = arith.constant 0 : i32
    %dma_start3A_516 = tpu.memref_slice %arg3[%select_n3A, %add3A_506, %dma_start3A_515] : memref<16x512x512xi32, #tpu.memory_space<hbm>> -> memref<1x32x512xi32, #tpu.memory_space<hbm>>
    %dma_start3A_517 = tpu.memref_squeeze %dma_start3A_516 : memref<1x32x512xi32, #tpu.memory_space<hbm>> -> memref<32x512xi32, #tpu.memory_space<hbm>>
    %dma_start3A_518 = arith.constant 0 : i32
    %dma_start3A_519 = arith.constant 0 : i32
    %dma_start3A_520 = tpu.memref_slice %arg6[%dma_start3A_507, %dma_start3A_518, %dma_start3A_519] : memref<2x32x512xi32, #tpu.memory_space<vmem>> -> memref<1x32x512xi32, #tpu.memory_space<vmem>>
    %dma_start3A_521 = tpu.memref_squeeze %dma_start3A_520 : memref<1x32x512xi32, #tpu.memory_space<vmem>> -> memref<32x512xi32, #tpu.memory_space<vmem>>
    tpu.enqueue_dma source(%dma_start3A_521 : memref<32x512xi32, #tpu.memory_space<vmem>>) target(%dma_start3A_517 : memref<32x512xi32, #tpu.memory_space<hbm>>) target_semaphore(%arg10 : memref<!tpu.dma_semaphore, #tpu.memory_space<semaphore_mem>>)
    %add3A_522 = arith.constant 160 : i32
    %add3A_523 = arith.addi %mul3A_32, %add3A_522 : i32
    %dma_start3A_524 = arith.constant 1 : i32
    %dma_start3A_525 = arith.constant 0 : i32
    %dma_start3A_526 = arith.constant 0 : i32
    %dma_start3A_527 = tpu.memref_slice %arg5[%dma_start3A_524, %dma_start3A_525, %dma_start3A_526] : memref<2x32x512xi32, #tpu.memory_space<vmem>> -> memref<1x32x512xi32, #tpu.memory_space<vmem>>
    %dma_start3A_528 = tpu.memref_squeeze %dma_start3A_527 : memref<1x32x512xi32, #tpu.memory_space<vmem>> -> memref<32x512xi32, #tpu.memory_space<vmem>>
    %dma_start3A_529 = arith.constant 0 : i32
    %dma_start3A_530 = tpu.memref_slice %arg2[%select_n3A, %add3A_523, %dma_start3A_529] : memref<16x512x512xi32, #tpu.memory_space<hbm>> -> memref<1x32x512xi32, #tpu.memory_space<hbm>>
    %dma_start3A_531 = tpu.memref_squeeze %dma_start3A_530 : memref<1x32x512xi32, #tpu.memory_space<hbm>> -> memref<32x512xi32, #tpu.memory_space<hbm>>
    %dma_start3A_532 = arith.constant 0 : i32
    %dma_start3A_533 = arith.constant 0 : i32
    %dma_start3A_534 = tpu.memref_slice %arg5[%dma_start3A_524, %dma_start3A_532, %dma_start3A_533] : memref<2x32x512xi32, #tpu.memory_space<vmem>> -> memref<1x32x512xi32, #tpu.memory_space<vmem>>
    %dma_start3A_535 = tpu.memref_squeeze %dma_start3A_534 : memref<1x32x512xi32, #tpu.memory_space<vmem>> -> memref<32x512xi32, #tpu.memory_space<vmem>>
    %dma_start3A_536 = arith.constant 0 : i32
    %dma_start3A_537 = tpu.memref_slice %arg2[%select_n3A, %add3A_523, %dma_start3A_536] : memref<16x512x512xi32, #tpu.memory_space<hbm>> -> memref<1x32x512xi32, #tpu.memory_space<hbm>>
    %dma_start3A_538 = tpu.memref_squeeze %dma_start3A_537 : memref<1x32x512xi32, #tpu.memory_space<hbm>> -> memref<32x512xi32, #tpu.memory_space<hbm>>
    tpu.enqueue_dma source(%dma_start3A_538 : memref<32x512xi32, #tpu.memory_space<hbm>>) target(%dma_start3A_535 : memref<32x512xi32, #tpu.memory_space<vmem>>) target_semaphore(%arg8 : memref<!tpu.dma_semaphore, #tpu.memory_space<semaphore_mem>>)
    %dma_wait3A_539 = arith.constant 0 : i32
    %dma_wait3A_540 = arith.constant 0 : i32
    %dma_wait3A_541 = arith.constant 0 : i32
    %dma_wait3A_542 = tpu.memref_slice %arg5[%dma_wait3A_539, %dma_wait3A_540, %dma_wait3A_541] : memref<2x32x512xi32, #tpu.memory_space<vmem>> -> memref<1x32x512xi32, #tpu.memory_space<vmem>>
    %dma_wait3A_543 = tpu.memref_squeeze %dma_wait3A_542 : memref<1x32x512xi32, #tpu.memory_space<vmem>> -> memref<32x512xi32, #tpu.memory_space<vmem>>
    %dma_wait3A_544 = arith.constant 0 : i32
    %dma_wait3A_545 = tpu.memref_slice %arg2[%select_n3A, %add3A_456, %dma_wait3A_544] : memref<16x512x512xi32, #tpu.memory_space<hbm>> -> memref<1x32x512xi32, #tpu.memory_space<hbm>>
    %dma_wait3A_546 = tpu.memref_squeeze %dma_wait3A_545 : memref<1x32x512xi32, #tpu.memory_space<hbm>> -> memref<32x512xi32, #tpu.memory_space<hbm>>
    %dma_wait3A_547 = arith.constant 0 : i32
    %dma_wait3A_548 = arith.constant 0 : i32
    %dma_wait3A_549 = tpu.memref_slice %arg5[%dma_wait3A_539, %dma_wait3A_547, %dma_wait3A_548] : memref<2x32x512xi32, #tpu.memory_space<vmem>> -> memref<1x32x512xi32, #tpu.memory_space<vmem>>
    %dma_wait3A_550 = tpu.memref_squeeze %dma_wait3A_549 : memref<1x32x512xi32, #tpu.memory_space<vmem>> -> memref<32x512xi32, #tpu.memory_space<vmem>>
    %dma_wait3A_551 = arith.constant 0 : i32
    %dma_wait3A_552 = tpu.memref_slice %arg2[%select_n3A, %add3A_456, %dma_wait3A_551] : memref<16x512x512xi32, #tpu.memory_space<hbm>> -> memref<1x32x512xi32, #tpu.memory_space<hbm>>
    %dma_wait3A_553 = tpu.memref_squeeze %dma_wait3A_552 : memref<1x32x512xi32, #tpu.memory_space<hbm>> -> memref<32x512xi32, #tpu.memory_space<hbm>>
    tpu.wait_dma2 semaphore(%arg7 : memref<!tpu.dma_semaphore, #tpu.memory_space<semaphore_mem>>) src(%dma_wait3A_553 : memref<32x512xi32, #tpu.memory_space<hbm>>) dst(%dma_wait3A_550 : memref<32x512xi32, #tpu.memory_space<vmem>>)
    %dma_wait3A_554 = arith.constant 0 : i32
    %dma_wait3A_555 = arith.constant 0 : i32
    %dma_wait3A_556 = arith.constant 0 : i32
    %dma_wait3A_557 = tpu.memref_slice %arg6[%dma_wait3A_554, %dma_wait3A_555, %dma_wait3A_556] : memref<2x32x512xi32, #tpu.memory_space<vmem>> -> memref<1x32x512xi32, #tpu.memory_space<vmem>>
    %dma_wait3A_558 = tpu.memref_squeeze %dma_wait3A_557 : memref<1x32x512xi32, #tpu.memory_space<vmem>> -> memref<32x512xi32, #tpu.memory_space<vmem>>
    %dma_wait3A_559 = arith.constant 0 : i32
    %dma_wait3A_560 = tpu.memref_slice %arg3[%select_n3A, %add3A_439, %dma_wait3A_559] : memref<16x512x512xi32, #tpu.memory_space<hbm>> -> memref<1x32x512xi32, #tpu.memory_space<hbm>>
    %dma_wait3A_561 = tpu.memref_squeeze %dma_wait3A_560 : memref<1x32x512xi32, #tpu.memory_space<hbm>> -> memref<32x512xi32, #tpu.memory_space<hbm>>
    %dma_wait3A_562 = arith.constant 0 : i32
    %dma_wait3A_563 = tpu.memref_slice %arg3[%select_n3A, %add3A_439, %dma_wait3A_562] : memref<16x512x512xi32, #tpu.memory_space<hbm>> -> memref<1x32x512xi32, #tpu.memory_space<hbm>>
    %dma_wait3A_564 = tpu.memref_squeeze %dma_wait3A_563 : memref<1x32x512xi32, #tpu.memory_space<hbm>> -> memref<32x512xi32, #tpu.memory_space<hbm>>
    %dma_wait3A_565 = arith.constant 0 : i32
    %dma_wait3A_566 = arith.constant 0 : i32
    %dma_wait3A_567 = tpu.memref_slice %arg6[%dma_wait3A_554, %dma_wait3A_565, %dma_wait3A_566] : memref<2x32x512xi32, #tpu.memory_space<vmem>> -> memref<1x32x512xi32, #tpu.memory_space<vmem>>
    %dma_wait3A_568 = tpu.memref_squeeze %dma_wait3A_567 : memref<1x32x512xi32, #tpu.memory_space<vmem>> -> memref<32x512xi32, #tpu.memory_space<vmem>>
    tpu.wait_dma2 semaphore(%arg9 : memref<!tpu.dma_semaphore, #tpu.memory_space<semaphore_mem>>) src(%dma_wait3A_568 : memref<32x512xi32, #tpu.memory_space<vmem>>) dst(%dma_wait3A_564 : memref<32x512xi32, #tpu.memory_space<hbm>>)
    %parallel_loop3A_569 = arith.constant 0 : i32
    %parallel_loop3A_570 = arith.constant 16384 : i32
    %parallel_loop3A_571 = arith.constant 16 : i32
    scf.for %parallel_loop3A_803 = %parallel_loop3A_569 to %parallel_loop3A_570 step %parallel_loop3A_571  : i32 {
      %parallel_loop3A_804 = arith.constant 9 : i32
      %parallel_loop3A_805 = arith.shrsi %parallel_loop3A_803, %parallel_loop3A_804 : i32
      %parallel_loop3A_806 = arith.constant 511 : i32
      %parallel_loop3A_807 = arith.andi %parallel_loop3A_803, %parallel_loop3A_806 : i32
      %parallel_loop3A_808 = arith.constant 0 : i32
      %parallel_loop3A_809 = arith.index_cast %parallel_loop3A_808 : i32 to index
      %parallel_loop3A_810 = arith.index_cast %parallel_loop3A_805 : i32 to index
      %parallel_loop3A_811 = arith.index_cast %parallel_loop3A_807 : i32 to index
      %parallel_loop3A_812 = tpu.vector_load %arg5[%parallel_loop3A_809, %parallel_loop3A_810, %parallel_loop3A_811] {strides = array<i32>} : memref<2x32x512xi32, #tpu.memory_space<vmem>>, vector<16xi32>,
      %parallel_loop3A_813 = tpu.vector_load_idx %arg4[%parallel_loop3A_812] : memref<48xi32, #tpu.memory_space<vmem>>[vector<16xi32>], vector<16xi32>,
      %parallel_loop3A_814 = arith.constant 0 : i32
      %parallel_loop3A_815 = arith.index_cast %parallel_loop3A_814 : i32 to index
      %parallel_loop3A_816 = arith.index_cast %parallel_loop3A_805 : i32 to index
      %parallel_loop3A_817 = arith.index_cast %parallel_loop3A_807 : i32 to index
      %parallel_loop3A_818 = tpu.vector_load %arg6[%parallel_loop3A_815, %parallel_loop3A_816, %parallel_loop3A_817] {strides = array<i32>} : memref<2x32x512xi32, #tpu.memory_space<vmem>>, vector<16xi32>,
      tpu.vector_store %arg6[%parallel_loop3A_815, %parallel_loop3A_816, %parallel_loop3A_817], %parallel_loop3A_813 {strides = array<i32>} : memref<2x32x512xi32, #tpu.memory_space<vmem>>, vector<16xi32>,
    } {sc.loop_unroll_factor = 8 : i64, sc.parallel_access}
    %add3A_572 = arith.constant 128 : i32
    %add3A_573 = arith.addi %mul3A_32, %add3A_572 : i32
    %dma_start3A_574 = arith.constant 0 : i32
    %dma_start3A_575 = arith.constant 0 : i32
    %dma_start3A_576 = arith.constant 0 : i32
    %dma_start3A_577 = tpu.memref_slice %arg6[%dma_start3A_574, %dma_start3A_575, %dma_start3A_576] : memref<2x32x512xi32, #tpu.memory_space<vmem>> -> memref<1x32x512xi32, #tpu.memory_space<vmem>>
    %dma_start3A_578 = tpu.memref_squeeze %dma_start3A_577 : memref<1x32x512xi32, #tpu.memory_space<vmem>> -> memref<32x512xi32, #tpu.memory_space<vmem>>
    %dma_start3A_579 = arith.constant 0 : i32
    %dma_start3A_580 = tpu.memref_slice %arg3[%select_n3A, %add3A_573, %dma_start3A_579] : memref<16x512x512xi32, #tpu.memory_space<hbm>> -> memref<1x32x512xi32, #tpu.memory_space<hbm>>
    %dma_start3A_581 = tpu.memref_squeeze %dma_start3A_580 : memref<1x32x512xi32, #tpu.memory_space<hbm>> -> memref<32x512xi32, #tpu.memory_space<hbm>>
    %dma_start3A_582 = arith.constant 0 : i32
    %dma_start3A_583 = tpu.memref_slice %arg3[%select_n3A, %add3A_573, %dma_start3A_582] : memref<16x512x512xi32, #tpu.memory_space<hbm>> -> memref<1x32x512xi32, #tpu.memory_space<hbm>>
    %dma_start3A_584 = tpu.memref_squeeze %dma_start3A_583 : memref<1x32x512xi32, #tpu.memory_space<hbm>> -> memref<32x512xi32, #tpu.memory_space<hbm>>
    %dma_start3A_585 = arith.constant 0 : i32
    %dma_start3A_586 = arith.constant 0 : i32
    %dma_start3A_587 = tpu.memref_slice %arg6[%dma_start3A_574, %dma_start3A_585, %dma_start3A_586] : memref<2x32x512xi32, #tpu.memory_space<vmem>> -> memref<1x32x512xi32, #tpu.memory_space<vmem>>
    %dma_start3A_588 = tpu.memref_squeeze %dma_start3A_587 : memref<1x32x512xi32, #tpu.memory_space<vmem>> -> memref<32x512xi32, #tpu.memory_space<vmem>>
    tpu.enqueue_dma source(%dma_start3A_588 : memref<32x512xi32, #tpu.memory_space<vmem>>) target(%dma_start3A_584 : memref<32x512xi32, #tpu.memory_space<hbm>>) target_semaphore(%arg9 : memref<!tpu.dma_semaphore, #tpu.memory_space<semaphore_mem>>)
    %add3A_589 = arith.constant 192 : i32
    %add3A_590 = arith.addi %mul3A_32, %add3A_589 : i32
    %dma_start3A_591 = arith.constant 0 : i32
    %dma_start3A_592 = arith.constant 0 : i32
    %dma_start3A_593 = arith.constant 0 : i32
    %dma_start3A_594 = tpu.memref_slice %arg5[%dma_start3A_591, %dma_start3A_592, %dma_start3A_593] : memref<2x32x512xi32, #tpu.memory_space<vmem>> -> memref<1x32x512xi32, #tpu.memory_space<vmem>>
    %dma_start3A_595 = tpu.memref_squeeze %dma_start3A_594 : memref<1x32x512xi32, #tpu.memory_space<vmem>> -> memref<32x512xi32, #tpu.memory_space<vmem>>
    %dma_start3A_596 = arith.constant 0 : i32
    %dma_start3A_597 = tpu.memref_slice %arg2[%select_n3A, %add3A_590, %dma_start3A_596] : memref<16x512x512xi32, #tpu.memory_space<hbm>> -> memref<1x32x512xi32, #tpu.memory_space<hbm>>
    %dma_start3A_598 = tpu.memref_squeeze %dma_start3A_597 : memref<1x32x512xi32, #tpu.memory_space<hbm>> -> memref<32x512xi32, #tpu.memory_space<hbm>>
    %dma_start3A_599 = arith.constant 0 : i32
    %dma_start3A_600 = arith.constant 0 : i32
    %dma_start3A_601 = tpu.memref_slice %arg5[%dma_start3A_591, %dma_start3A_599, %dma_start3A_600] : memref<2x32x512xi32, #tpu.memory_space<vmem>> -> memref<1x32x512xi32, #tpu.memory_space<vmem>>
    %dma_start3A_602 = tpu.memref_squeeze %dma_start3A_601 : memref<1x32x512xi32, #tpu.memory_space<vmem>> -> memref<32x512xi32, #tpu.memory_space<vmem>>
    %dma_start3A_603 = arith.constant 0 : i32
    %dma_start3A_604 = tpu.memref_slice %arg2[%select_n3A, %add3A_590, %dma_start3A_603] : memref<16x512x512xi32, #tpu.memory_space<hbm>> -> memref<1x32x512xi32, #tpu.memory_space<hbm>>
    %dma_start3A_605 = tpu.memref_squeeze %dma_start3A_604 : memref<1x32x512xi32, #tpu.memory_space<hbm>> -> memref<32x512xi32, #tpu.memory_space<hbm>>
    tpu.enqueue_dma source(%dma_start3A_605 : memref<32x512xi32, #tpu.memory_space<hbm>>) target(%dma_start3A_602 : memref<32x512xi32, #tpu.memory_space<vmem>>) target_semaphore(%arg7 : memref<!tpu.dma_semaphore, #tpu.memory_space<semaphore_mem>>)
    %dma_wait3A_606 = arith.constant 1 : i32
    %dma_wait3A_607 = arith.constant 0 : i32
    %dma_wait3A_608 = arith.constant 0 : i32
    %dma_wait3A_609 = tpu.memref_slice %arg5[%dma_wait3A_606, %dma_wait3A_607, %dma_wait3A_608] : memref<2x32x512xi32, #tpu.memory_space<vmem>> -> memref<1x32x512xi32, #tpu.memory_space<vmem>>
    %dma_wait3A_610 = tpu.memref_squeeze %dma_wait3A_609 : memref<1x32x512xi32, #tpu.memory_space<vmem>> -> memref<32x512xi32, #tpu.memory_space<vmem>>
    %dma_wait3A_611 = arith.constant 0 : i32
    %dma_wait3A_612 = tpu.memref_slice %arg2[%select_n3A, %add3A_523, %dma_wait3A_611] : memref<16x512x512xi32, #tpu.memory_space<hbm>> -> memref<1x32x512xi32, #tpu.memory_space<hbm>>
    %dma_wait3A_613 = tpu.memref_squeeze %dma_wait3A_612 : memref<1x32x512xi32, #tpu.memory_space<hbm>> -> memref<32x512xi32, #tpu.memory_space<hbm>>
    %dma_wait3A_614 = arith.constant 0 : i32
    %dma_wait3A_615 = arith.constant 0 : i32
    %dma_wait3A_616 = tpu.memref_slice %arg5[%dma_wait3A_606, %dma_wait3A_614, %dma_wait3A_615] : memref<2x32x512xi32, #tpu.memory_space<vmem>> -> memref<1x32x512xi32, #tpu.memory_space<vmem>>
    %dma_wait3A_617 = tpu.memref_squeeze %dma_wait3A_616 : memref<1x32x512xi32, #tpu.memory_space<vmem>> -> memref<32x512xi32, #tpu.memory_space<vmem>>
    %dma_wait3A_618 = arith.constant 0 : i32
    %dma_wait3A_619 = tpu.memref_slice %arg2[%select_n3A, %add3A_523, %dma_wait3A_618] : memref<16x512x512xi32, #tpu.memory_space<hbm>> -> memref<1x32x512xi32, #tpu.memory_space<hbm>>
    %dma_wait3A_620 = tpu.memref_squeeze %dma_wait3A_619 : memref<1x32x512xi32, #tpu.memory_space<hbm>> -> memref<32x512xi32, #tpu.memory_space<hbm>>
    tpu.wait_dma2 semaphore(%arg8 : memref<!tpu.dma_semaphore, #tpu.memory_space<semaphore_mem>>) src(%dma_wait3A_620 : memref<32x512xi32, #tpu.memory_space<hbm>>) dst(%dma_wait3A_617 : memref<32x512xi32, #tpu.memory_space<vmem>>)
    %dma_wait3A_621 = arith.constant 1 : i32
    %dma_wait3A_622 = arith.constant 0 : i32
    %dma_wait3A_623 = arith.constant 0 : i32
    %dma_wait3A_624 = tpu.memref_slice %arg6[%dma_wait3A_621, %dma_wait3A_622, %dma_wait3A_623] : memref<2x32x512xi32, #tpu.memory_space<vmem>> -> memref<1x32x512xi32, #tpu.memory_space<vmem>>
    %dma_wait3A_625 = tpu.memref_squeeze %dma_wait3A_624 : memref<1x32x512xi32, #tpu.memory_space<vmem>> -> memref<32x512xi32, #tpu.memory_space<vmem>>
    %dma_wait3A_626 = arith.constant 0 : i32
    %dma_wait3A_627 = tpu.memref_slice %arg3[%select_n3A, %add3A_506, %dma_wait3A_626] : memref<16x512x512xi32, #tpu.memory_space<hbm>> -> memref<1x32x512xi32, #tpu.memory_space<hbm>>
    %dma_wait3A_628 = tpu.memref_squeeze %dma_wait3A_627 : memref<1x32x512xi32, #tpu.memory_space<hbm>> -> memref<32x512xi32, #tpu.memory_space<hbm>>
    %dma_wait3A_629 = arith.constant 0 : i32
    %dma_wait3A_630 = tpu.memref_slice %arg3[%select_n3A, %add3A_506, %dma_wait3A_629] : memref<16x512x512xi32, #tpu.memory_space<hbm>> -> memref<1x32x512xi32, #tpu.memory_space<hbm>>
    %dma_wait3A_631 = tpu.memref_squeeze %dma_wait3A_630 : memref<1x32x512xi32, #tpu.memory_space<hbm>> -> memref<32x512xi32, #tpu.memory_space<hbm>>
    %dma_wait3A_632 = arith.constant 0 : i32
    %dma_wait3A_633 = arith.constant 0 : i32
    %dma_wait3A_634 = tpu.memref_slice %arg6[%dma_wait3A_621, %dma_wait3A_632, %dma_wait3A_633] : memref<2x32x512xi32, #tpu.memory_space<vmem>> -> memref<1x32x512xi32, #tpu.memory_space<vmem>>
    %dma_wait3A_635 = tpu.memref_squeeze %dma_wait3A_634 : memref<1x32x512xi32, #tpu.memory_space<vmem>> -> memref<32x512xi32, #tpu.memory_space<vmem>>
    tpu.wait_dma2 semaphore(%arg10 : memref<!tpu.dma_semaphore, #tpu.memory_space<semaphore_mem>>) src(%dma_wait3A_635 : memref<32x512xi32, #tpu.memory_space<vmem>>) dst(%dma_wait3A_631 : memref<32x512xi32, #tpu.memory_space<hbm>>)
    %parallel_loop3A_636 = arith.constant 0 : i32
    %parallel_loop3A_637 = arith.constant 16384 : i32
    %parallel_loop3A_638 = arith.constant 16 : i32
    scf.for %parallel_loop3A_803 = %parallel_loop3A_636 to %parallel_loop3A_637 step %parallel_loop3A_638  : i32 {
      %parallel_loop3A_804 = arith.constant 9 : i32
      %parallel_loop3A_805 = arith.shrsi %parallel_loop3A_803, %parallel_loop3A_804 : i32
      %parallel_loop3A_806 = arith.constant 511 : i32
      %parallel_loop3A_807 = arith.andi %parallel_loop3A_803, %parallel_loop3A_806 : i32
      %parallel_loop3A_808 = arith.constant 1 : i32
      %parallel_loop3A_809 = arith.index_cast %parallel_loop3A_808 : i32 to index
      %parallel_loop3A_810 = arith.index_cast %parallel_loop3A_805 : i32 to index
      %parallel_loop3A_811 = arith.index_cast %parallel_loop3A_807 : i32 to index
      %parallel_loop3A_812 = tpu.vector_load %arg5[%parallel_loop3A_809, %parallel_loop3A_810, %parallel_loop3A_811] {strides = array<i32>} : memref<2x32x512xi32, #tpu.memory_space<vmem>>, vector<16xi32>,
      %parallel_loop3A_813 = tpu.vector_load_idx %arg4[%parallel_loop3A_812] : memref<48xi32, #tpu.memory_space<vmem>>[vector<16xi32>], vector<16xi32>,
      %parallel_loop3A_814 = arith.constant 1 : i32
      %parallel_loop3A_815 = arith.index_cast %parallel_loop3A_814 : i32 to index
      %parallel_loop3A_816 = arith.index_cast %parallel_loop3A_805 : i32 to index
      %parallel_loop3A_817 = arith.index_cast %parallel_loop3A_807 : i32 to index
      %parallel_loop3A_818 = tpu.vector_load %arg6[%parallel_loop3A_815, %parallel_loop3A_816, %parallel_loop3A_817] {strides = array<i32>} : memref<2x32x512xi32, #tpu.memory_space<vmem>>, vector<16xi32>,
      tpu.vector_store %arg6[%parallel_loop3A_815, %parallel_loop3A_816, %parallel_loop3A_817], %parallel_loop3A_813 {strides = array<i32>} : memref<2x32x512xi32, #tpu.memory_space<vmem>>, vector<16xi32>,
    } {sc.loop_unroll_factor = 8 : i64, sc.parallel_access}
    %add3A_639 = arith.constant 160 : i32
    %add3A_640 = arith.addi %mul3A_32, %add3A_639 : i32
    %dma_start3A_641 = arith.constant 1 : i32
    %dma_start3A_642 = arith.constant 0 : i32
    %dma_start3A_643 = arith.constant 0 : i32
    %dma_start3A_644 = tpu.memref_slice %arg6[%dma_start3A_641, %dma_start3A_642, %dma_start3A_643] : memref<2x32x512xi32, #tpu.memory_space<vmem>> -> memref<1x32x512xi32, #tpu.memory_space<vmem>>
    %dma_start3A_645 = tpu.memref_squeeze %dma_start3A_644 : memref<1x32x512xi32, #tpu.memory_space<vmem>> -> memref<32x512xi32, #tpu.memory_space<vmem>>
    %dma_start3A_646 = arith.constant 0 : i32
    %dma_start3A_647 = tpu.memref_slice %arg3[%select_n3A, %add3A_640, %dma_start3A_646] : memref<16x512x512xi32, #tpu.memory_space<hbm>> -> memref<1x32x512xi32, #tpu.memory_space<hbm>>
    %dma_start3A_648 = tpu.memref_squeeze %dma_start3A_647 : memref<1x32x512xi32, #tpu.memory_space<hbm>> -> memref<32x512xi32, #tpu.memory_space<hbm>>
    %dma_start3A_649 = arith.constant 0 : i32
    %dma_start3A_650 = tpu.memref_slice %arg3[%select_n3A, %add3A_640, %dma_start3A_649] : memref<16x512x512xi32, #tpu.memory_space<hbm>> -> memref<1x32x512xi32, #tpu.memory_space<hbm>>
    %dma_start3A_651 = tpu.memref_squeeze %dma_start3A_650 : memref<1x32x512xi32, #tpu.memory_space<hbm>> -> memref<32x512xi32, #tpu.memory_space<hbm>>
    %dma_start3A_652 = arith.constant 0 : i32
    %dma_start3A_653 = arith.constant 0 : i32
    %dma_start3A_654 = tpu.memref_slice %arg6[%dma_start3A_641, %dma_start3A_652, %dma_start3A_653] : memref<2x32x512xi32, #tpu.memory_space<vmem>> -> memref<1x32x512xi32, #tpu.memory_space<vmem>>
    %dma_start3A_655 = tpu.memref_squeeze %dma_start3A_654 : memref<1x32x512xi32, #tpu.memory_space<vmem>> -> memref<32x512xi32, #tpu.memory_space<vmem>>
    tpu.enqueue_dma source(%dma_start3A_655 : memref<32x512xi32, #tpu.memory_space<vmem>>) target(%dma_start3A_651 : memref<32x512xi32, #tpu.memory_space<hbm>>) target_semaphore(%arg10 : memref<!tpu.dma_semaphore, #tpu.memory_space<semaphore_mem>>)
    %add3A_656 = arith.constant 224 : i32
    %add3A_657 = arith.addi %mul3A_32, %add3A_656 : i32
    %dma_start3A_658 = arith.constant 1 : i32
    %dma_start3A_659 = arith.constant 0 : i32
    %dma_start3A_660 = arith.constant 0 : i32
    %dma_start3A_661 = tpu.memref_slice %arg5[%dma_start3A_658, %dma_start3A_659, %dma_start3A_660] : memref<2x32x512xi32, #tpu.memory_space<vmem>> -> memref<1x32x512xi32, #tpu.memory_space<vmem>>
    %dma_start3A_662 = tpu.memref_squeeze %dma_start3A_661 : memref<1x32x512xi32, #tpu.memory_space<vmem>> -> memref<32x512xi32, #tpu.memory_space<vmem>>
    %dma_start3A_663 = arith.constant 0 : i32
    %dma_start3A_664 = tpu.memref_slice %arg2[%select_n3A, %add3A_657, %dma_start3A_663] : memref<16x512x512xi32, #tpu.memory_space<hbm>> -> memref<1x32x512xi32, #tpu.memory_space<hbm>>
    %dma_start3A_665 = tpu.memref_squeeze %dma_start3A_664 : memref<1x32x512xi32, #tpu.memory_space<hbm>> -> memref<32x512xi32, #tpu.memory_space<hbm>>
    %dma_start3A_666 = arith.constant 0 : i32
    %dma_start3A_667 = arith.constant 0 : i32
    %dma_start3A_668 = tpu.memref_slice %arg5[%dma_start3A_658, %dma_start3A_666, %dma_start3A_667] : memref<2x32x512xi32, #tpu.memory_space<vmem>> -> memref<1x32x512xi32, #tpu.memory_space<vmem>>
    %dma_start3A_669 = tpu.memref_squeeze %dma_start3A_668 : memref<1x32x512xi32, #tpu.memory_space<vmem>> -> memref<32x512xi32, #tpu.memory_space<vmem>>
    %dma_start3A_670 = arith.constant 0 : i32
    %dma_start3A_671 = tpu.memref_slice %arg2[%select_n3A, %add3A_657, %dma_start3A_670] : memref<16x512x512xi32, #tpu.memory_space<hbm>> -> memref<1x32x512xi32, #tpu.memory_space<hbm>>
    %dma_start3A_672 = tpu.memref_squeeze %dma_start3A_671 : memref<1x32x512xi32, #tpu.memory_space<hbm>> -> memref<32x512xi32, #tpu.memory_space<hbm>>
    tpu.enqueue_dma source(%dma_start3A_672 : memref<32x512xi32, #tpu.memory_space<hbm>>) target(%dma_start3A_669 : memref<32x512xi32, #tpu.memory_space<vmem>>) target_semaphore(%arg8 : memref<!tpu.dma_semaphore, #tpu.memory_space<semaphore_mem>>)
    %dma_wait3A_673 = arith.constant 0 : i32
    %dma_wait3A_674 = arith.constant 0 : i32
    %dma_wait3A_675 = arith.constant 0 : i32
    %dma_wait3A_676 = tpu.memref_slice %arg5[%dma_wait3A_673, %dma_wait3A_674, %dma_wait3A_675] : memref<2x32x512xi32, #tpu.memory_space<vmem>> -> memref<1x32x512xi32, #tpu.memory_space<vmem>>
    %dma_wait3A_677 = tpu.memref_squeeze %dma_wait3A_676 : memref<1x32x512xi32, #tpu.memory_space<vmem>> -> memref<32x512xi32, #tpu.memory_space<vmem>>
    %dma_wait3A_678 = arith.constant 0 : i32
    %dma_wait3A_679 = tpu.memref_slice %arg2[%select_n3A, %add3A_590, %dma_wait3A_678] : memref<16x512x512xi32, #tpu.memory_space<hbm>> -> memref<1x32x512xi32, #tpu.memory_space<hbm>>
    %dma_wait3A_680 = tpu.memref_squeeze %dma_wait3A_679 : memref<1x32x512xi32, #tpu.memory_space<hbm>> -> memref<32x512xi32, #tpu.memory_space<hbm>>
    %dma_wait3A_681 = arith.constant 0 : i32
    %dma_wait3A_682 = arith.constant 0 : i32
    %dma_wait3A_683 = tpu.memref_slice %arg5[%dma_wait3A_673, %dma_wait3A_681, %dma_wait3A_682] : memref<2x32x512xi32, #tpu.memory_space<vmem>> -> memref<1x32x512xi32, #tpu.memory_space<vmem>>
    %dma_wait3A_684 = tpu.memref_squeeze %dma_wait3A_683 : memref<1x32x512xi32, #tpu.memory_space<vmem>> -> memref<32x512xi32, #tpu.memory_space<vmem>>
    %dma_wait3A_685 = arith.constant 0 : i32
    %dma_wait3A_686 = tpu.memref_slice %arg2[%select_n3A, %add3A_590, %dma_wait3A_685] : memref<16x512x512xi32, #tpu.memory_space<hbm>> -> memref<1x32x512xi32, #tpu.memory_space<hbm>>
    %dma_wait3A_687 = tpu.memref_squeeze %dma_wait3A_686 : memref<1x32x512xi32, #tpu.memory_space<hbm>> -> memref<32x512xi32, #tpu.memory_space<hbm>>
    tpu.wait_dma2 semaphore(%arg7 : memref<!tpu.dma_semaphore, #tpu.memory_space<semaphore_mem>>) src(%dma_wait3A_687 : memref<32x512xi32, #tpu.memory_space<hbm>>) dst(%dma_wait3A_684 : memref<32x512xi32, #tpu.memory_space<vmem>>)
    %dma_wait3A_688 = arith.constant 0 : i32
    %dma_wait3A_689 = arith.constant 0 : i32
    %dma_wait3A_690 = arith.constant 0 : i32
    %dma_wait3A_691 = tpu.memref_slice %arg6[%dma_wait3A_688, %dma_wait3A_689, %dma_wait3A_690] : memref<2x32x512xi32, #tpu.memory_space<vmem>> -> memref<1x32x512xi32, #tpu.memory_space<vmem>>
    %dma_wait3A_692 = tpu.memref_squeeze %dma_wait3A_691 : memref<1x32x512xi32, #tpu.memory_space<vmem>> -> memref<32x512xi32, #tpu.memory_space<vmem>>
    %dma_wait3A_693 = arith.constant 0 : i32
    %dma_wait3A_694 = tpu.memref_slice %arg3[%select_n3A, %add3A_573, %dma_wait3A_693] : memref<16x512x512xi32, #tpu.memory_space<hbm>> -> memref<1x32x512xi32, #tpu.memory_space<hbm>>
    %dma_wait3A_695 = tpu.memref_squeeze %dma_wait3A_694 : memref<1x32x512xi32, #tpu.memory_space<hbm>> -> memref<32x512xi32, #tpu.memory_space<hbm>>
    %dma_wait3A_696 = arith.constant 0 : i32
    %dma_wait3A_697 = tpu.memref_slice %arg3[%select_n3A, %add3A_573, %dma_wait3A_696] : memref<16x512x512xi32, #tpu.memory_space<hbm>> -> memref<1x32x512xi32, #tpu.memory_space<hbm>>
    %dma_wait3A_698 = tpu.memref_squeeze %dma_wait3A_697 : memref<1x32x512xi32, #tpu.memory_space<hbm>> -> memref<32x512xi32, #tpu.memory_space<hbm>>
    %dma_wait3A_699 = arith.constant 0 : i32
    %dma_wait3A_700 = arith.constant 0 : i32
    %dma_wait3A_701 = tpu.memref_slice %arg6[%dma_wait3A_688, %dma_wait3A_699, %dma_wait3A_700] : memref<2x32x512xi32, #tpu.memory_space<vmem>> -> memref<1x32x512xi32, #tpu.memory_space<vmem>>
    %dma_wait3A_702 = tpu.memref_squeeze %dma_wait3A_701 : memref<1x32x512xi32, #tpu.memory_space<vmem>> -> memref<32x512xi32, #tpu.memory_space<vmem>>
    tpu.wait_dma2 semaphore(%arg9 : memref<!tpu.dma_semaphore, #tpu.memory_space<semaphore_mem>>) src(%dma_wait3A_702 : memref<32x512xi32, #tpu.memory_space<vmem>>) dst(%dma_wait3A_698 : memref<32x512xi32, #tpu.memory_space<hbm>>)
    %parallel_loop3A_703 = arith.constant 0 : i32
    %parallel_loop3A_704 = arith.constant 16384 : i32
    %parallel_loop3A_705 = arith.constant 16 : i32
    scf.for %parallel_loop3A_803 = %parallel_loop3A_703 to %parallel_loop3A_704 step %parallel_loop3A_705  : i32 {
      %parallel_loop3A_804 = arith.constant 9 : i32
      %parallel_loop3A_805 = arith.shrsi %parallel_loop3A_803, %parallel_loop3A_804 : i32
      %parallel_loop3A_806 = arith.constant 511 : i32
      %parallel_loop3A_807 = arith.andi %parallel_loop3A_803, %parallel_loop3A_806 : i32
      %parallel_loop3A_808 = arith.constant 0 : i32
      %parallel_loop3A_809 = arith.index_cast %parallel_loop3A_808 : i32 to index
      %parallel_loop3A_810 = arith.index_cast %parallel_loop3A_805 : i32 to index
      %parallel_loop3A_811 = arith.index_cast %parallel_loop3A_807 : i32 to index
      %parallel_loop3A_812 = tpu.vector_load %arg5[%parallel_loop3A_809, %parallel_loop3A_810, %parallel_loop3A_811] {strides = array<i32>} : memref<2x32x512xi32, #tpu.memory_space<vmem>>, vector<16xi32>,
      %parallel_loop3A_813 = tpu.vector_load_idx %arg4[%parallel_loop3A_812] : memref<48xi32, #tpu.memory_space<vmem>>[vector<16xi32>], vector<16xi32>,
      %parallel_loop3A_814 = arith.constant 0 : i32
      %parallel_loop3A_815 = arith.index_cast %parallel_loop3A_814 : i32 to index
      %parallel_loop3A_816 = arith.index_cast %parallel_loop3A_805 : i32 to index
      %parallel_loop3A_817 = arith.index_cast %parallel_loop3A_807 : i32 to index
      %parallel_loop3A_818 = tpu.vector_load %arg6[%parallel_loop3A_815, %parallel_loop3A_816, %parallel_loop3A_817] {strides = array<i32>} : memref<2x32x512xi32, #tpu.memory_space<vmem>>, vector<16xi32>,
      tpu.vector_store %arg6[%parallel_loop3A_815, %parallel_loop3A_816, %parallel_loop3A_817], %parallel_loop3A_813 {strides = array<i32>} : memref<2x32x512xi32, #tpu.memory_space<vmem>>, vector<16xi32>,
    } {sc.loop_unroll_factor = 8 : i64, sc.parallel_access}
    %add3A_706 = arith.constant 192 : i32
    %add3A_707 = arith.addi %mul3A_32, %add3A_706 : i32
    %dma_start3A_708 = arith.constant 0 : i32
    %dma_start3A_709 = arith.constant 0 : i32
    %dma_start3A_710 = arith.constant 0 : i32
    %dma_start3A_711 = tpu.memref_slice %arg6[%dma_start3A_708, %dma_start3A_709, %dma_start3A_710] : memref<2x32x512xi32, #tpu.memory_space<vmem>> -> memref<1x32x512xi32, #tpu.memory_space<vmem>>
    %dma_start3A_712 = tpu.memref_squeeze %dma_start3A_711 : memref<1x32x512xi32, #tpu.memory_space<vmem>> -> memref<32x512xi32, #tpu.memory_space<vmem>>
    %dma_start3A_713 = arith.constant 0 : i32
    %dma_start3A_714 = tpu.memref_slice %arg3[%select_n3A, %add3A_707, %dma_start3A_713] : memref<16x512x512xi32, #tpu.memory_space<hbm>> -> memref<1x32x512xi32, #tpu.memory_space<hbm>>
    %dma_start3A_715 = tpu.memref_squeeze %dma_start3A_714 : memref<1x32x512xi32, #tpu.memory_space<hbm>> -> memref<32x512xi32, #tpu.memory_space<hbm>>
    %dma_start3A_716 = arith.constant 0 : i32
    %dma_start3A_717 = tpu.memref_slice %arg3[%select_n3A, %add3A_707, %dma_start3A_716] : memref<16x512x512xi32, #tpu.memory_space<hbm>> -> memref<1x32x512xi32, #tpu.memory_space<hbm>>
    %dma_start3A_718 = tpu.memref_squeeze %dma_start3A_717 : memref<1x32x512xi32, #tpu.memory_space<hbm>> -> memref<32x512xi32, #tpu.memory_space<hbm>>
    %dma_start3A_719 = arith.constant 0 : i32
    %dma_start3A_720 = arith.constant 0 : i32
    %dma_start3A_721 = tpu.memref_slice %arg6[%dma_start3A_708, %dma_start3A_719, %dma_start3A_720] : memref<2x32x512xi32, #tpu.memory_space<vmem>> -> memref<1x32x512xi32, #tpu.memory_space<vmem>>
    %dma_start3A_722 = tpu.memref_squeeze %dma_start3A_721 : memref<1x32x512xi32, #tpu.memory_space<vmem>> -> memref<32x512xi32, #tpu.memory_space<vmem>>
    tpu.enqueue_dma source(%dma_start3A_722 : memref<32x512xi32, #tpu.memory_space<vmem>>) target(%dma_start3A_718 : memref<32x512xi32, #tpu.memory_space<hbm>>) target_semaphore(%arg9 : memref<!tpu.dma_semaphore, #tpu.memory_space<semaphore_mem>>)
    %dma_wait3A_723 = arith.constant 1 : i32
    %dma_wait3A_724 = arith.constant 0 : i32
    %dma_wait3A_725 = arith.constant 0 : i32
    %dma_wait3A_726 = tpu.memref_slice %arg5[%dma_wait3A_723, %dma_wait3A_724, %dma_wait3A_725] : memref<2x32x512xi32, #tpu.memory_space<vmem>> -> memref<1x32x512xi32, #tpu.memory_space<vmem>>
    %dma_wait3A_727 = tpu.memref_squeeze %dma_wait3A_726 : memref<1x32x512xi32, #tpu.memory_space<vmem>> -> memref<32x512xi32, #tpu.memory_space<vmem>>
    %dma_wait3A_728 = arith.constant 0 : i32
    %dma_wait3A_729 = tpu.memref_slice %arg2[%select_n3A, %add3A_657, %dma_wait3A_728] : memref<16x512x512xi32, #tpu.memory_space<hbm>> -> memref<1x32x512xi32, #tpu.memory_space<hbm>>
    %dma_wait3A_730 = tpu.memref_squeeze %dma_wait3A_729 : memref<1x32x512xi32, #tpu.memory_space<hbm>> -> memref<32x512xi32, #tpu.memory_space<hbm>>
    %dma_wait3A_731 = arith.constant 0 : i32
    %dma_wait3A_732 = arith.constant 0 : i32
    %dma_wait3A_733 = tpu.memref_slice %arg5[%dma_wait3A_723, %dma_wait3A_731, %dma_wait3A_732] : memref<2x32x512xi32, #tpu.memory_space<vmem>> -> memref<1x32x512xi32, #tpu.memory_space<vmem>>
    %dma_wait3A_734 = tpu.memref_squeeze %dma_wait3A_733 : memref<1x32x512xi32, #tpu.memory_space<vmem>> -> memref<32x512xi32, #tpu.memory_space<vmem>>
    %dma_wait3A_735 = arith.constant 0 : i32
    %dma_wait3A_736 = tpu.memref_slice %arg2[%select_n3A, %add3A_657, %dma_wait3A_735] : memref<16x512x512xi32, #tpu.memory_space<hbm>> -> memref<1x32x512xi32, #tpu.memory_space<hbm>>
    %dma_wait3A_737 = tpu.memref_squeeze %dma_wait3A_736 : memref<1x32x512xi32, #tpu.memory_space<hbm>> -> memref<32x512xi32, #tpu.memory_space<hbm>>
    tpu.wait_dma2 semaphore(%arg8 : memref<!tpu.dma_semaphore, #tpu.memory_space<semaphore_mem>>) src(%dma_wait3A_737 : memref<32x512xi32, #tpu.memory_space<hbm>>) dst(%dma_wait3A_734 : memref<32x512xi32, #tpu.memory_space<vmem>>)
    %dma_wait3A_738 = arith.constant 1 : i32
    %dma_wait3A_739 = arith.constant 0 : i32
    %dma_wait3A_740 = arith.constant 0 : i32
    %dma_wait3A_741 = tpu.memref_slice %arg6[%dma_wait3A_738, %dma_wait3A_739, %dma_wait3A_740] : memref<2x32x512xi32, #tpu.memory_space<vmem>> -> memref<1x32x512xi32, #tpu.memory_space<vmem>>
    %dma_wait3A_742 = tpu.memref_squeeze %dma_wait3A_741 : memref<1x32x512xi32, #tpu.memory_space<vmem>> -> memref<32x512xi32, #tpu.memory_space<vmem>>
    %dma_wait3A_743 = arith.constant 0 : i32
    %dma_wait3A_744 = tpu.memref_slice %arg3[%select_n3A, %add3A_640, %dma_wait3A_743] : memref<16x512x512xi32, #tpu.memory_space<hbm>> -> memref<1x32x512xi32, #tpu.memory_space<hbm>>
    %dma_wait3A_745 = tpu.memref_squeeze %dma_wait3A_744 : memref<1x32x512xi32, #tpu.memory_space<hbm>> -> memref<32x512xi32, #tpu.memory_space<hbm>>
    %dma_wait3A_746 = arith.constant 0 : i32
    %dma_wait3A_747 = tpu.memref_slice %arg3[%select_n3A, %add3A_640, %dma_wait3A_746] : memref<16x512x512xi32, #tpu.memory_space<hbm>> -> memref<1x32x512xi32, #tpu.memory_space<hbm>>
    %dma_wait3A_748 = tpu.memref_squeeze %dma_wait3A_747 : memref<1x32x512xi32, #tpu.memory_space<hbm>> -> memref<32x512xi32, #tpu.memory_space<hbm>>
    %dma_wait3A_749 = arith.constant 0 : i32
    %dma_wait3A_750 = arith.constant 0 : i32
    %dma_wait3A_751 = tpu.memref_slice %arg6[%dma_wait3A_738, %dma_wait3A_749, %dma_wait3A_750] : memref<2x32x512xi32, #tpu.memory_space<vmem>> -> memref<1x32x512xi32, #tpu.memory_space<vmem>>
    %dma_wait3A_752 = tpu.memref_squeeze %dma_wait3A_751 : memref<1x32x512xi32, #tpu.memory_space<vmem>> -> memref<32x512xi32, #tpu.memory_space<vmem>>
    tpu.wait_dma2 semaphore(%arg10 : memref<!tpu.dma_semaphore, #tpu.memory_space<semaphore_mem>>) src(%dma_wait3A_752 : memref<32x512xi32, #tpu.memory_space<vmem>>) dst(%dma_wait3A_748 : memref<32x512xi32, #tpu.memory_space<hbm>>)
    %parallel_loop3A_753 = arith.constant 0 : i32
    %parallel_loop3A_754 = arith.constant 16384 : i32
    %parallel_loop3A_755 = arith.constant 16 : i32
    scf.for %parallel_loop3A_803 = %parallel_loop3A_753 to %parallel_loop3A_754 step %parallel_loop3A_755  : i32 {
      %parallel_loop3A_804 = arith.constant 9 : i32
      %parallel_loop3A_805 = arith.shrsi %parallel_loop3A_803, %parallel_loop3A_804 : i32
      %parallel_loop3A_806 = arith.constant 511 : i32
      %parallel_loop3A_807 = arith.andi %parallel_loop3A_803, %parallel_loop3A_806 : i32
      %parallel_loop3A_808 = arith.constant 1 : i32
      %parallel_loop3A_809 = arith.index_cast %parallel_loop3A_808 : i32 to index
      %parallel_loop3A_810 = arith.index_cast %parallel_loop3A_805 : i32 to index
      %parallel_loop3A_811 = arith.index_cast %parallel_loop3A_807 : i32 to index
      %parallel_loop3A_812 = tpu.vector_load %arg5[%parallel_loop3A_809, %parallel_loop3A_810, %parallel_loop3A_811] {strides = array<i32>} : memref<2x32x512xi32, #tpu.memory_space<vmem>>, vector<16xi32>,
      %parallel_loop3A_813 = tpu.vector_load_idx %arg4[%parallel_loop3A_812] : memref<48xi32, #tpu.memory_space<vmem>>[vector<16xi32>], vector<16xi32>,
      %parallel_loop3A_814 = arith.constant 1 : i32
      %parallel_loop3A_815 = arith.index_cast %parallel_loop3A_814 : i32 to index
      %parallel_loop3A_816 = arith.index_cast %parallel_loop3A_805 : i32 to index
      %parallel_loop3A_817 = arith.index_cast %parallel_loop3A_807 : i32 to index
      %parallel_loop3A_818 = tpu.vector_load %arg6[%parallel_loop3A_815, %parallel_loop3A_816, %parallel_loop3A_817] {strides = array<i32>} : memref<2x32x512xi32, #tpu.memory_space<vmem>>, vector<16xi32>,
      tpu.vector_store %arg6[%parallel_loop3A_815, %parallel_loop3A_816, %parallel_loop3A_817], %parallel_loop3A_813 {strides = array<i32>} : memref<2x32x512xi32, #tpu.memory_space<vmem>>, vector<16xi32>,
    } {sc.loop_unroll_factor = 8 : i64, sc.parallel_access}
    %add3A_756 = arith.constant 224 : i32
    %add3A_757 = arith.addi %mul3A_32, %add3A_756 : i32
    %dma_start3A_758 = arith.constant 1 : i32
    %dma_start3A_759 = arith.constant 0 : i32
    %dma_start3A_760 = arith.constant 0 : i32
    %dma_start3A_761 = tpu.memref_slice %arg6[%dma_start3A_758, %dma_start3A_759, %dma_start3A_760] : memref<2x32x512xi32, #tpu.memory_space<vmem>> -> memref<1x32x512xi32, #tpu.memory_space<vmem>>
    %dma_start3A_762 = tpu.memref_squeeze %dma_start3A_761 : memref<1x32x512xi32, #tpu.memory_space<vmem>> -> memref<32x512xi32, #tpu.memory_space<vmem>>
    %dma_start3A_763 = arith.constant 0 : i32
    %dma_start3A_764 = tpu.memref_slice %arg3[%select_n3A, %add3A_757, %dma_start3A_763] : memref<16x512x512xi32, #tpu.memory_space<hbm>> -> memref<1x32x512xi32, #tpu.memory_space<hbm>>
    %dma_start3A_765 = tpu.memref_squeeze %dma_start3A_764 : memref<1x32x512xi32, #tpu.memory_space<hbm>> -> memref<32x512xi32, #tpu.memory_space<hbm>>
    %dma_start3A_766 = arith.constant 0 : i32
    %dma_start3A_767 = tpu.memref_slice %arg3[%select_n3A, %add3A_757, %dma_start3A_766] : memref<16x512x512xi32, #tpu.memory_space<hbm>> -> memref<1x32x512xi32, #tpu.memory_space<hbm>>
    %dma_start3A_768 = tpu.memref_squeeze %dma_start3A_767 : memref<1x32x512xi32, #tpu.memory_space<hbm>> -> memref<32x512xi32, #tpu.memory_space<hbm>>
    %dma_start3A_769 = arith.constant 0 : i32
    %dma_start3A_770 = arith.constant 0 : i32
    %dma_start3A_771 = tpu.memref_slice %arg6[%dma_start3A_758, %dma_start3A_769, %dma_start3A_770] : memref<2x32x512xi32, #tpu.memory_space<vmem>> -> memref<1x32x512xi32, #tpu.memory_space<vmem>>
    %dma_start3A_772 = tpu.memref_squeeze %dma_start3A_771 : memref<1x32x512xi32, #tpu.memory_space<vmem>> -> memref<32x512xi32, #tpu.memory_space<vmem>>
    tpu.enqueue_dma source(%dma_start3A_772 : memref<32x512xi32, #tpu.memory_space<vmem>>) target(%dma_start3A_768 : memref<32x512xi32, #tpu.memory_space<hbm>>) target_semaphore(%arg10 : memref<!tpu.dma_semaphore, #tpu.memory_space<semaphore_mem>>)
    %dma_wait3A_773 = arith.constant 0 : i32
    %dma_wait3A_774 = arith.constant 0 : i32
    %dma_wait3A_775 = arith.constant 0 : i32
    %dma_wait3A_776 = tpu.memref_slice %arg6[%dma_wait3A_773, %dma_wait3A_774, %dma_wait3A_775] : memref<2x32x512xi32, #tpu.memory_space<vmem>> -> memref<1x32x512xi32, #tpu.memory_space<vmem>>
    %dma_wait3A_777 = tpu.memref_squeeze %dma_wait3A_776 : memref<1x32x512xi32, #tpu.memory_space<vmem>> -> memref<32x512xi32, #tpu.memory_space<vmem>>
    %dma_wait3A_778 = arith.constant 0 : i32
    %dma_wait3A_779 = tpu.memref_slice %arg3[%select_n3A, %add3A_707, %dma_wait3A_778] : memref<16x512x512xi32, #tpu.memory_space<hbm>> -> memref<1x32x512xi32, #tpu.memory_space<hbm>>
    %dma_wait3A_780 = tpu.memref_squeeze %dma_wait3A_779 : memref<1x32x512xi32, #tpu.memory_space<hbm>> -> memref<32x512xi32, #tpu.memory_space<hbm>>
    %dma_wait3A_781 = arith.constant 0 : i32
    %dma_wait3A_782 = tpu.memref_slice %arg3[%select_n3A, %add3A_707, %dma_wait3A_781] : memref<16x512x512xi32, #tpu.memory_space<hbm>> -> memref<1x32x512xi32, #tpu.memory_space<hbm>>
    %dma_wait3A_783 = tpu.memref_squeeze %dma_wait3A_782 : memref<1x32x512xi32, #tpu.memory_space<hbm>> -> memref<32x512xi32, #tpu.memory_space<hbm>>
    %dma_wait3A_784 = arith.constant 0 : i32
    %dma_wait3A_785 = arith.constant 0 : i32
    %dma_wait3A_786 = tpu.memref_slice %arg6[%dma_wait3A_773, %dma_wait3A_784, %dma_wait3A_785] : memref<2x32x512xi32, #tpu.memory_space<vmem>> -> memref<1x32x512xi32, #tpu.memory_space<vmem>>
    %dma_wait3A_787 = tpu.memref_squeeze %dma_wait3A_786 : memref<1x32x512xi32, #tpu.memory_space<vmem>> -> memref<32x512xi32, #tpu.memory_space<vmem>>
    tpu.wait_dma2 semaphore(%arg9 : memref<!tpu.dma_semaphore, #tpu.memory_space<semaphore_mem>>) src(%dma_wait3A_787 : memref<32x512xi32, #tpu.memory_space<vmem>>) dst(%dma_wait3A_783 : memref<32x512xi32, #tpu.memory_space<hbm>>)
    %dma_wait3A_788 = arith.constant 1 : i32
    %dma_wait3A_789 = arith.constant 0 : i32
    %dma_wait3A_790 = arith.constant 0 : i32
    %dma_wait3A_791 = tpu.memref_slice %arg6[%dma_wait3A_788, %dma_wait3A_789, %dma_wait3A_790] : memref<2x32x512xi32, #tpu.memory_space<vmem>> -> memref<1x32x512xi32, #tpu.memory_space<vmem>>
    %dma_wait3A_792 = tpu.memref_squeeze %dma_wait3A_791 : memref<1x32x512xi32, #tpu.memory_space<vmem>> -> memref<32x512xi32, #tpu.memory_space<vmem>>
    %dma_wait3A_793 = arith.constant 0 : i32
    %dma_wait3A_794 = tpu.memref_slice %arg3[%select_n3A, %add3A_757, %dma_wait3A_793] : memref<16x512x512xi32, #tpu.memory_space<hbm>> -> memref<1x32x512xi32, #tpu.memory_space<hbm>>
    %dma_wait3A_795 = tpu.memref_squeeze %dma_wait3A_794 : memref<1x32x512xi32, #tpu.memory_space<hbm>> -> memref<32x512xi32, #tpu.memory_space<hbm>>
    %dma_wait3A_796 = arith.constant 0 : i32
    %dma_wait3A_797 = tpu.memref_slice %arg3[%select_n3A, %add3A_757, %dma_wait3A_796] : memref<16x512x512xi32, #tpu.memory_space<hbm>> -> memref<1x32x512xi32, #tpu.memory_space<hbm>>
    %dma_wait3A_798 = tpu.memref_squeeze %dma_wait3A_797 : memref<1x32x512xi32, #tpu.memory_space<hbm>> -> memref<32x512xi32, #tpu.memory_space<hbm>>
    %dma_wait3A_799 = arith.constant 0 : i32
    %dma_wait3A_800 = arith.constant 0 : i32
    %dma_wait3A_801 = tpu.memref_slice %arg6[%dma_wait3A_788, %dma_wait3A_799, %dma_wait3A_800] : memref<2x32x512xi32, #tpu.memory_space<vmem>> -> memref<1x32x512xi32, #tpu.memory_space<vmem>>
    %dma_wait3A_802 = tpu.memref_squeeze %dma_wait3A_801 : memref<1x32x512xi32, #tpu.memory_space<vmem>> -> memref<32x512xi32, #tpu.memory_space<vmem>>
    tpu.wait_dma2 semaphore(%arg10 : memref<!tpu.dma_semaphore, #tpu.memory_space<semaphore_mem>>) src(%dma_wait3A_802 : memref<32x512xi32, #tpu.memory_space<vmem>>) dst(%dma_wait3A_798 : memref<32x512xi32, #tpu.memory_space<hbm>>)
    return
  }
}

</mosaic_0001>

<sc_bundles>
// kernel: kernel.3.cloned.1.call-start
scs
__scs_entry_jumppad:
0x0: {  	(pc) =	sbr.rel $0x88, $3  }
0x1: {  	(tag) =	ssettag $0x0;
	lr =	simm.s32 $0x1  }
0x2: {  	[smem:$0x3FA0] =	sst lr;
	_ =	strace $0xD0000000  }
0x3: {  	_ = 	snop  }
0x4: {  	_ = 	snop  }
0x5: {  	_ = 	snop  }
0x6: {  	_ = 	snop  }
0x7: {  	_ = 	snop  }
__scs_overlays_trampoline_lowered:
0x8: {  	[smem:$0x3FAF] =	sst s0  }
0x9: {  	[smem:$0x3FB0] =	sst s1  }
0xa: {  	[smem:$0x3FB1] =	sst s2  }
0xb: {  	[smem:$0x3FB2] =	sst s3  }
0xc: {  	[smem:$0x3FB3] =	sst s4  }
0xd: {  	[smem:$0x3FB4] =	sst s5  }
0xe: {  	[smem:$0x3FB5] =	sst s6  }
0xf: {  	[smem:$0x3FB6] =	sst s7  }
0x10: {  	[smem:$0x3FB7] =	sst s8  }
0x11: {  	[smem:$0x3FB8] =	sst s9;
	s0 =	simm.s32 @!p0 $0x0  }
0x12: {  	s1 =	sld [smem:$0x3F9E];
	s0 =	simm.s32 @p0 $0x1  }
0x13: {  	[smem:$0x3FB9] =	sst s0;
	s0 =	simm.s32 @!p1 $0x0  }
0x14: {  	s2 =	sld [smem:$0x3F9D];
	s0 =	simm.s32 @p1 $0x1  }
0x15: {  	[smem:$0x3FBA] =	sst s0;
	s0 =	simm.s32 @!p2 $0x0  }
0x16: {  	s3 =	sld [smem:$0x3FDB];
	s0 =	simm.s32 @p2 $0x1  }
0x17: {  	s4 =	simm.s32 $0x1BF5;
	[smem:$0x3FBC] =	sst s0  }
0x18: {  	s0 =	sld [smem:$0x3F9F];
	_ =	swait.ge [sflag:s4], $0x0  }
0x19: {  	s7 =	sld [smem:$0x3FA0]  }
0x1a: {  	s8 =	sadd.s32 $0xFFFFE003, lr  }
0x1b: {  	s9 =	sadd.s32 $0xFFFFFEF7, lr;
	s5 =	simm.s32 $0xFFFFFFFF;
	p2 =	slt.u32 s8, $0xFFFFF086  }
0x1c: {  	p1 =	slt.u32 s9, $0xF7A;
	s5 =	simm.s32 @!p2 $0x0  }
0x1d: {  	s5 =	simm.s32 @p1 $0x1;
	p0 =	seq.s32 s7, s2  }
0x1e: {  	s7 =	smul.u32 @!p0 $0xF7A, s2;
	p2 =	seq.s32 @!p0 s5, $0x0  }
0x1f: {  	s9 =	smul.u32 $0xF7A, s1;
	s8 =	simm.s32 @!p0 $0x1BF5;
	p2 =	por !p2, p0  }
0x20: {  	[sflag:s8] =	ssyncset.s32 @!p0 $0xFFFFF086;
	s6 =	sadd.s32 @!p0 s3, s7;
	s7 =	simm.s32 @!p0 $0x108  }
0x21: {  	s3 =	sadd.s32 s3, s9;
	s6 =	sadd.s32 @!p0 $0x88, s6;
	s7 =	simm.s32 @p2 $0x1082  }
0x22: {  	[simem:s7], [sflag:s8] =	dma.local @!p0 [hbm:s6], $0xF7A  }
0x23: {  	s9 =	sor.u32 $0xD0000000, s2;
	s6 =	simm.s32 $0x108;
	_ =	swait.ge @!p0 [sflag:s8], $0x0  }
0x24: {  	s3 =	sadd.s32 $0x88, s3;
	s6 =	simm.s32 @!p1 $0x1082;
	[sflag:s4] =	ssyncset.s32 $0xFFFFF086  }
0x25: {  	[simem:s6], [sflag:s4] =	dma.local [hbm:s3], $0xF7A  }
0x26: {  	[smem:$0x3FA0] =	sst s1;
	(tag) =	ssettag s2;
	_ =	strace s9  }
0x27: {  	s1 =	sld [smem:$0x3FB0]  }
0x28: {  	s2 =	sld [smem:$0x3FB1]  }
0x29: {  	s4 =	sld [smem:$0x3FB3]  }
0x2a: {  	p0 =	seq.s32 s5, $0x0;
	s5 =	sld [smem:$0x3FB4]  }
0x2b: {  	s6 =	sld [smem:$0x3FB5]  }
0x2c: {  	s7 =	sld [smem:$0x3FB6]  }
0x2d: {  	s3 =	simm.s32 $0x108;
	s8 =	sld [smem:$0x3FB7]  }
0x2e: {  	s3 =	simm.s32 @!p0 $0x1082;
	s9 =	sld [smem:$0x3FB8]  }
0x2f: {  	lr =	sadd.s32 s0, s3;
	s0 =	sld [smem:$0x3FAF]  }
0x30: {  	s3 =	sld [smem:$0x3FB2]  }
0x31: {  	[smem:$0x3FBB] =	sst s10  }
0x32: {  	s10 =	sld [smem:$0x3FB9];
	_ =	sdelay $0x3  }
0x33: {  	p0 =	seq.s32 s10, $0x1;
	s10 =	sld [smem:$0x3FBB];
	_ =	sdelay $0x3  }
0x34: {  	[smem:$0x3FBB] =	sst s10  }
0x35: {  	s10 =	sld [smem:$0x3FBA];
	_ =	sdelay $0x3  }
0x36: {  	p1 =	seq.s32 s10, $0x1;
	s10 =	sld [smem:$0x3FBB];
	_ =	sdelay $0x3  }
0x37: {  	[smem:$0x3FBB] =	sst s10  }
0x38: {  	s10 =	sld [smem:$0x3FBC]  }
0x39: {  	_ = 	snop;
	(pc) =	sbr.ind lr, $3  }
0x3a: {  	_ = 	snop  }
0x3b: {  	_ = 	snop  }
0x3c: {  	p2 =	seq.s32 s10, $0x1;
	s10 =	sld [smem:$0x3FBB]  }
0x3d: {  	_ =	shalt  }
0x3e: {  	_ =	shalt  }
0x3f: {  	_ =	shalt  }
0x40: {  	_ =	shalt  }
0x41: {  	_ =	shalt  }
0x42: {  	_ =	shalt  }
0x43: {  	_ =	shalt  }
0x44: {  	_ =	shalt  }
0x45: {  	_ =	shalt  }
0x46: {  	_ =	shalt  }
0x47: {  	_ =	shalt  }
0x48: {  	_ =	shalt  }
0x49: {  	_ =	shalt  }
0x4a: {  	_ =	shalt  }
0x4b: {  	_ =	shalt  }
0x4c: {  	_ =	shalt  }
0x4d: {  	_ =	shalt  }
0x4e: {  	_ =	shalt  }
0x4f: {  	_ =	shalt  }
0x50: {  	_ =	shalt  }
0x51: {  	_ =	shalt  }
0x52: {  	_ =	shalt  }
0x53: {  	_ =	shalt  }
0x54: {  	_ =	shalt  }
0x55: {  	_ =	shalt  }
0x56: {  	_ =	shalt  }
0x57: {  	_ =	shalt  }
0x58: {  	_ =	shalt  }
0x59: {  	_ =	shalt  }
0x5a: {  	_ =	shalt  }
0x5b: {  	_ =	shalt  }
0x5c: {  	_ =	shalt  }
0x5d: {  	_ =	shalt  }
0x5e: {  	_ =	shalt  }
0x5f: {  	_ =	shalt  }
0x60: {  	_ =	shalt  }
0x61: {  	_ =	shalt  }
0x62: {  	_ =	shalt  }
0x63: {  	_ =	shalt  }
0x64: {  	_ =	shalt  }
0x65: {  	_ =	shalt  }
0x66: {  	_ =	shalt  }
0x67: {  	_ =	shalt  }
0x68: {  	_ =	shalt  }
0x69: {  	_ =	shalt  }
0x6a: {  	_ =	shalt  }
0x6b: {  	_ =	shalt  }
0x6c: {  	_ =	shalt  }
0x6d: {  	_ =	shalt  }
0x6e: {  	_ =	shalt  }
0x6f: {  	_ =	shalt  }
0x70: {  	_ =	shalt  }
0x71: {  	_ =	shalt  }
0x72: {  	_ =	shalt  }
0x73: {  	_ =	shalt  }
0x74: {  	_ =	shalt  }
0x75: {  	_ =	shalt  }
0x76: {  	_ =	shalt  }
0x77: {  	_ =	shalt  }
0x78: {  	_ =	shalt  }
0x79: {  	_ =	shalt  }
0x7a: {  	_ =	shalt  }
0x7b: {  	_ =	shalt  }
0x7c: {  	_ =	shalt  }
0x7d: {  	_ =	shalt  }
0x7e: {  	_ =	shalt  }
0x7f: {  	_ =	shalt  }
0x80: {  	_ =	shalt  }
0x81: {  	_ =	shalt  }
0x82: {  	_ =	shalt  }
0x83: {  	_ =	shalt  }
0x84: {  	_ =	shalt  }
0x85: {  	_ =	shalt  }
0x86: {  	_ =	shalt  }
0x87: {  	_ =	shalt  }
.Lfunc_end0:
.L_simem_size_0:
called_computation_lowered:
.L_overlay_start_0:
0x88: {  	s2 =	sld [smem:$0x3FD9]  }
0x89: {  	s3 =	sld [smem:$0x3FFE];
	_ =	sdelay $0x1  }
0x8a: {  	s1 =	srdreg.scid  }
0x8b: {  	s0 =	sand.u32 $0x1, s1  }
0x8c: {  	s18 =	sshll.u32 s0, $0xA;
	s2 =	sadd.s32 s3, s2  }
0x8d: {  	s2 =	sadd.s32 s2, s18  }
0x8e: {  	[smem:$0x3FC7] =	sst s2  }
0x8f: {  	_ = 	snop  }
0x90: {  	s2 =	sld [smem:$0x3FC9]  }
0x91: {  	s19 =	sld [smem:$0x3FD0];
	(tm) =	ssettm $0x1  }
0x92: {  	s4 =	sld [smem:$0x3FFB];
	_ =	sdelay $0x3  }
0x93: {  	_ =	strace s4  }
0x94: {  	s4 =	sld [smem:$0x3FFC];
	_ =	sdelay $0x3  }
0x95: {  	_ =	strace s4  }
0x96: {  	s4 =	sld [smem:$0x3FFD];
	_ =	sdelay $0x3  }
0x97: {  	_ =	strace s4  }
0x98: {  	_ =	strace $0x8FFFFFFF  }
0x99: {  	s20 =	sld [smem:$0x3FDB];
	_ =	sdelay $0x1  }
0x9a: {  	s5 =	simm.s32 $_scs_section_size  }
0x9b: {  	s6 =	simm.s32 $_size__tile_overlayer_lowered;
	s7 =	simm.s32 $_tile_overlayer_lowered  }
0x9c: {  	s23 =	simm.s32 $0x1BFF;
	s22 =	sshll.u32 s7, $0x1;
	s4 =	sadd.s32 s5, s20  }
0x9d: {  	s8 =	simm.s32 $0x0;
	s21 =	sshll.u32 s6, $0x1;
	s6 =	sadd.s32 s22, s4  }
0x9e: {  	[timem:s8], [sflag:s23] =	dma.local [hbm:s6], s21  }
0x9f: {  	_ =	swait.ge [sflag:s23], s21  }
0xa0: {  	s5 =	ssub.s32 $0x0, s21;
	[sflag:s23] =	ssyncset.done $0x0  }
0xa1: {  	[sflag:s23] =	ssyncadd.s32 s5;
	_ =	sdelay $0x1  }
0xa2: {  	s24 =	simm.s32 $0x1B8B  }
0xa3: {  	_ =	swait.ge [sflag:s24], $0x1  }
0xa4: {  	[sflag:s24] =	ssyncset.done $0x0  }
0xa5: {  	s25 =	simm.s32 $0x1B8E;
	[sflag:s24] =	ssyncadd.s32 $0xFFFFFFFF  }
0xa6: {  	s26 =	simm.s32 $execute0_lowered;
	[smem:$0x3FD2] =	sst s25  }
0xa7: {  	s5 =	sshll.u32 s26, $0x1;
	_ =	strace $0x80000046;
	[dreg:$0x1] =	wrdreg $0xFFFFFFFF  }
0xa8: {  	s28 =	simm.s32 $_size_execute0_lowered;
	s4 =	sadd.s32 s4, s5;
	[dreg:$0x0] =	wrdreg $0x0  }
0xa9: {  	s5 =	sshll.u32 s28, $0x1;
	[dreg:$0x2] =	wrdreg s4  }
0xaa: {  	[dreg:$0x3] =	wrdreg s5  }
0xab: {  	[dreg:$0x4] =	wrdreg $0xC0  }
0xac: {  	_ =	task [dreg:s8], $0x5FFFF  }
0xad: {  	[dreg:$0x1] =	wrdreg $0xFFFFFFFF  }
0xae: {  	[dreg:$0x0] =	wrdreg $0x60  }
0xaf: {  	[dreg:$0x2] =	wrdreg s2  }
0xb0: {  	[dreg:$0x3] =	wrdreg s19  }
0xb1: {  	[dreg:$0x4] =	wrdreg $0x9  }
0xb2: {  	_ =	task.clear_ibuf [dreg:s8], $0x5FFFF;
	_ =	strace $0x90000046  }
0xb3: {  	s29 =	simm.s32 $0x9;
	_ =	strace $0x80000048  }
0xb4: {  	_ =	swait.ge [sflag:s29], $0x1  }
0xb5: {  	[sflag:s29] =	ssyncadd.s32 $0xFFFFFFFF  }
0xb6: {  	_ =	strace $0x90000048  }
0xb7: {  	_ =	sfence  }
0xb8: {  	s30 =	sld [smem:$0x0];
	_ =	sdelay $0x2  }
0xb9: {  	s31 =	sshll.u32 s1, $0xD;
	s1 =	sshrl.u32 s1, $0x2  }
0xba: {  	s3 =	sand.u32 $0x4000, s31;
	s1 =	sadd.s32 s1, s30  }
0xbb: {  	s0 =	sor.u32 s3, s0;
	s1 =	sshll.u32 s1, $0x11  }
0xbc: {  	s0 =	sor.u32 s1, s0  }
0xbd: {  	s0 =	sadd.s32 $0x8F2B, s0  }
0xbe: {  	[sflag:s0] =	ssyncadd.remote.s32 $0x1  }
0xbf: {  	_ =	sfence.sel $0xFFFF  }
0xc0: {  	[dreg:$0x0] =	wrdreg $0xFFFFFFFF;
	(pc) =	sbr.abs _section_cstart, $3  }
0xc1: {  	[dreg:$0x1] =	wrdreg $0xFFFFFFFF  }
0xc2: {  	_ =	task.clear_ibuf [dreg:s8], $0x2FFFF;
	_ =	strace $0x9FFFFFFF  }
0xc3: {  	(tm) =	ssettm $0x7FFFFFFF  }
tec
execute0_lowered:
.L_overlay_start_1:
0x0: {  	(tag) =	ssettag $0x1  }
0x1: {  	s0 =	srdreg.scid  }
0x2: {  	s4 =	stileid.u32;
	s25 =	rddreg [dreg:$0x0];
	s0 =	sand.u32 $0x1, s0  }
0x3: {  	s3 =	simm.s32 $0x1;
	s19 =	rddreg [dreg:$0x1];
	s1 =	sor.u32 s0, s4  }
0x4: {  	s2 =	simm.s32 $0x0;
	p1 =	seq.s32 s0, $0x1;
	p0 =	seq.s32 s1, $0x0  }
0x5: {  	s21 =	simm.s32 $0x80;
	s22 =	simm.s32 $0x4080;
	p0 =	por !p0, !p1  }
0x6: {  	s23 =	simm.s32 $0x8080;
	s24 =	simm.s32 $0x2;
	p0 =	por !p0, !p0  }
0x7: {  	s28 =	simm.s32 $0x4;
	s29 =	simm.s32 $0x0;
	s3 =	simm.s32 @!p0 $0x0  }
0x8: {  	[smem:$0x7FF] =	sst s2;
	s26 =	ssub.s32 $0x2, s0;
	s3 =	ssub.s32 s4, s3  }
0x9: {  	s0 =	sshll.u32 s0, $0x11;
	s5 =	sshrl.u32 s26, $0x1;
	s3 =	sshll.u32 s3, $0x12  }
0xa: {  	_ =	strace $0x80000047;
	s20 =	ssub.s32 s26, s5;
	s0 =	sor.u32 s0, s3  }
0xb: {  	v0 =	vimm.s32 $0xA987EDCB;
	s26 =	simm.s32 $0x3;
	s20 =	smax.u32 s20, $0x1;
	s0 =	sshrl.u32 s0, $0x3  }
0xc: {  	v0 =	vunpack.c.l.s4.s8 v0;
	s3 =	simm.s32 $0x1;
	s30 =	sadd.s32 s25, s0;
	s8 =	sor.u32 $0x800, s0  }
0xd: {  	v1 =	vimm.s32 $0x131301;
	s6 =	sadd.s32 s19, s0;
	s10 =	sor.u32 $0x1000, s0;
	s12 =	sor.u32 $0x1800, s0  }
0xe: {  	vm0 =	vcmask $0x2B14;
	v2 =	vimm.s32 $0x6130513;
	v0 =	vunpack.c.0.s8.s32 v0;
	s14 =	sor.u32 $0x2000, s0;
	s16 =	sor.u32 $0x2800, s0;
	s18 =	sor.u32 $0x3000, s0  }
0xf: {  	v3 =	vimm.s32 $0x2130403;
	vm14 =	vcmask $0x2F10;
	v2 =	vunpack.c.0.s8.s32 v2;
	s0 =	sor.u32 $0x3800, s0;
	[dreg:$0x3] =	wrdreg s30;
	s31 =	sadd.s32 s25, s8  }
0x10: {  	v4 =	vimm.s32 $0x13131211;
	vm15 =	vcmask $0x3B28;
	v0 =	vand.u32 $0xF, v0;
	s7 =	sadd.s32 s25, s10;
	s8 =	sadd.s32 s19, s8;
	s9 =	sadd.s32 s25, s12  }
0x11: {  	v1 =	vunpack.c.0.s8.s32 v1;
	v2 =	vsel vm14, v0, v2;
	v0 =	vimm.s32 $0x1013130F;
	s10 =	sadd.s32 s19, s10;
	s11 =	sadd.s32 s25, s14;
	s12 =	sadd.s32 s19, s12  }
0x12: {  	v3 =	vunpack.c.0.s8.s32 v3;
	v4 =	vunpack.c.0.s8.s32 v4;
	v5 =	vunpack.c.0.s8.s32 v0;
	s13 =	sadd.s32 s25, s16;
	s14 =	sadd.s32 s19, s14;
	s15 =	sadd.s32 s25, s18  }
0x13: {  	vm1 =	vcmask $0x3F30;
	vm2 =	vcmask $0xF00;
	v1 =	vnsel vm0, $0x13, v1;
	s16 =	sadd.s32 s19, s16;
	s17 =	sadd.s32 s25, s0;
	s18 =	sadd.s32 s19, s18  }
0x14: {  	v0 =	vsel vm15, v3, v1;
	v1 =	vsel vm1, v5, v2;
	v2 =	vnsel vm2, $0x13, v4;
	s19 =	sadd.s32 s19, s0;
	s25 =	simm.s32 $0xC080;
	[dreg:$0x4] =	wrdreg s31  }
.LBB2_1:
0x15: {  	[tilespmem:$0x0] =	vst v0  }
0x16: {  	[tilespmem:$0x10] =	vst v1  }
0x17: {  	[tilespmem:$0x20] =	vst v2;
	s0 =	rddreg [dreg:$0x3]  }
0x18: {  	[tilespmem:s21], [sflag:$0x1] =	stream.linear.gather [hbm4b:s0+s2], $0x4000, $0x38;
	[tilespmem:$0x10080] =	vst v63  }
0x19: {  	s1 =	rddreg [dreg:$0x4];
	s31 =	simm.s32 $0x0  }
0x1a: {  	[tilespmem:s22], [sflag:$0x2] =	stream.linear.gather [hbm4b:s1+s2], $0x4000, $0x38;
	[tilespmem:$0x10080] =	vst v63  }
0x1b: {  	s4 =	sand.u32 $0x3000, s31;
	s1 =	sand.u32 $0xC00, s2;
	_ =	swait.ge [sflag:s3], $0x4000  }
0x1c: {  	s5 =	sand.u32 $0x380, s2;
	s0 =	sor.u32 s4, s1;
	[sflag:s3] =	ssyncset.done $0x0  }
0x1d: {  	s30 =	sor.u32 s5, s0;
	[sflag:s3] =	ssyncadd.s32 $0xFFFFC000  }
0x1e: {  	v5 =	vld [tilespmem:s30+$0xF0]  }
0x1f: {  	v6 =	vld [tilespmem:s30+$0x80]  }
0x20: {  	v11 =	vld [tilespmem:s30+$0x90]  }
0x21: {  	v12 =	vld [tilespmem:s30+$0xA0]  }
0x22: {  	v9 =	vld [tilespmem:s30+$0xB0]  }
0x23: {  	v7 =	vld [tilespmem:s30+$0xC0]  }
0x24: {  	v4 =	vld [tilespmem:s30+$0xD0]  }
0x25: {  	v3 =	vld [tilespmem:s30+$0xE0]  }
0x26: {  	v10 =	vld.idx.msk [tilespmem:v5+s2+$0x0], $0xffff  }
0x27: {  	v8 =	vld.idx.msk [tilespmem:v6+s2+$0x0], $0xffff  }
0x28: {  	v6 =	vld.idx.msk [tilespmem:v11+s2+$0x0], $0xffff  }
0x29: {  	s1 =	simm.s32 $0x0;
	s0 =	simm.s32 $0x0;
	v5 =	vld.idx.msk [tilespmem:v12+s2+$0x0], $0xffff  }
.LBB2_2:
0x2a: {  	s31 =	sadd.s32 $0x80, s31;
	v9 =	vld.idx.msk [tilespmem:v9+s2+$0x0], $0xffff;
	s1 =	sadd.s32 $0x400, s1  }
0x2b: {  	s0 =	sadd.s32 $0x20, s0;
	s4 =	sand.u32 $0x3000, s31;
	s5 =	sand.u32 $0xC00, s1;
	v7 =	vld.idx.msk [tilespmem:v7+s2+$0x0], $0xffff  }
0x2c: {  	p0 =	slt.u32 s31, $0x3F80;
	s4 =	sor.u32 s4, s5;
	s5 =	sand.u32 $0x380, s0;
	v4 =	vld.idx.msk [tilespmem:v4+s2+$0x0], $0xffff;
	[tilespmem:s30+$0x80F0] =	vst v10  }
0x2d: {  	s4 =	sor.u32 s5, s4;
	[tilespmem:s30+$0x8080] =	vst v8;
	v3 =	vld.idx.msk [tilespmem:v3+s2+$0x0], $0xffff  }
0x2e: {  	v8 =	vld [tilespmem:s4+$0xF0];
	[tilespmem:s30+$0x8090] =	vst v6  }
0x2f: {  	v6 =	vld [tilespmem:s4+$0x80];
	[tilespmem:s30+$0x80A0] =	vst v5  }
0x30: {  	v5 =	vld [tilespmem:s4+$0x90];
	[tilespmem:s30+$0x80B0] =	vst v9  }
0x31: {  	v11 =	vld [tilespmem:s4+$0xA0];
	[tilespmem:s30+$0x80C0] =	vst v7  }
0x32: {  	v9 =	vld [tilespmem:s4+$0xB0];
	[tilespmem:s30+$0x80D0] =	vst v4  }
0x33: {  	v7 =	vld [tilespmem:s4+$0xC0];
	[tilespmem:s30+$0x80E0] =	vst v3;
	s30 =	smov.u32 s4  }
0x34: {  	v4 =	vld [tilespmem:s30+$0xD0]  }
.Ltmp0:
0x35: {  	v3 =	vld [tilespmem:s30+$0xE0];
	(pc) =	sbr.rel @p0 .LBB2_2-.Ltmp0, $4  }
0x36: {  	v10 =	vld.idx.msk [tilespmem:v8+s2+$0x0], $0xffff  }
0x37: {  	v8 =	vld.idx.msk [tilespmem:v6+s2+$0x0], $0xffff  }
0x38: {  	v6 =	vld.idx.msk [tilespmem:v5+s2+$0x0], $0xffff  }
0x39: {  	v5 =	vld.idx.msk [tilespmem:v11+s2+$0x0], $0xffff  }
0x3a: {  	_ =	sdelay $0x3  }
0x3b: {  	v9 =	vld.idx.msk [tilespmem:v9+s2+$0x0], $0xffff  }
0x3c: {  	v7 =	vld.idx.msk [tilespmem:v7+s2+$0x0], $0xffff;
	[tilespmem:s30+$0x80F0] =	vst v10  }
0x3d: {  	v4 =	vld.idx.msk [tilespmem:v4+s2+$0x0], $0xffff;
	[tilespmem:s30+$0x8080] =	vst v8  }
0x3e: {  	v3 =	vld.idx.msk [tilespmem:v3+s2+$0x0], $0xffff;
	[tilespmem:s30+$0x8090] =	vst v6  }
0x3f: {  	[tilespmem:s30+$0x80A0] =	vst v5  }
0x40: {  	[tilespmem:s30+$0x80B0] =	vst v9  }
0x41: {  	[tilespmem:s30+$0x80C0] =	vst v7  }
0x42: {  	[tilespmem:s30+$0x80D0] =	vst v4  }
0x43: {  	s31 =	simm.s32 $0x0;
	[tilespmem:s30+$0x80E0] =	vst v3  }
0x44: {  	[hbm4b:s6+s31] =	stream.linear.scatter [tilespmem:s23], [sflag:$0x3], $0x4000, $0x38;
	[tilespmem:$0x10080] =	vst v63  }
0x45: {  	s1 =	simm.s32 $0x0  }
0x46: {  	[tilespmem:s21], [sflag:$0x1] =	stream.linear.gather [hbm4b:s7+s31], $0x4000, $0x38;
	[tilespmem:$0x10080] =	vst v63  }
0x47: {  	s0 =	sand.u32 $0x3000, s1;
	s4 =	sand.u32 $0xC00, s31;
	_ =	swait.ge [sflag:s24], $0x4000  }
0x48: {  	s5 =	sand.u32 $0x380, s31;
	s0 =	sor.u32 s0, s4;
	[sflag:s24] =	ssyncset.done $0x0  }
0x49: {  	s30 =	sor.u32 s5, s0;
	[sflag:s24] =	ssyncadd.s32 $0xFFFFC000  }
0x4a: {  	v5 =	vld [tilespmem:s30+$0x40F0]  }
0x4b: {  	v6 =	vld [tilespmem:s30+$0x4080]  }
0x4c: {  	v11 =	vld [tilespmem:s30+$0x4090]  }
0x4d: {  	v12 =	vld [tilespmem:s30+$0x40A0]  }
0x4e: {  	v9 =	vld [tilespmem:s30+$0x40B0]  }
0x4f: {  	v7 =	vld [tilespmem:s30+$0x40C0]  }
0x50: {  	v4 =	vld [tilespmem:s30+$0x40D0]  }
0x51: {  	v3 =	vld [tilespmem:s30+$0x40E0]  }
0x52: {  	v10 =	vld.idx.msk [tilespmem:v5+s2+$0x0], $0xffff  }
0x53: {  	v8 =	vld.idx.msk [tilespmem:v6+s2+$0x0], $0xffff  }
0x54: {  	v6 =	vld.idx.msk [tilespmem:v11+s2+$0x0], $0xffff  }
0x55: {  	s0 =	simm.s32 $0x0;
	v5 =	vld.idx.msk [tilespmem:v12+s2+$0x0], $0xffff  }
.LBB2_4:
0x56: {  	s1 =	sadd.s32 $0x80, s1;
	v9 =	vld.idx.msk [tilespmem:v9+s2+$0x0], $0xffff;
	s31 =	sadd.s32 $0x400, s31  }
0x57: {  	s0 =	sadd.s32 $0x20, s0;
	s4 =	sand.u32 $0x3000, s1;
	s5 =	sand.u32 $0xC00, s31;
	v7 =	vld.idx.msk [tilespmem:v7+s2+$0x0], $0xffff  }
0x58: {  	p0 =	slt.u32 s1, $0x3F80;
	s4 =	sor.u32 s4, s5;
	s5 =	sand.u32 $0x380, s0;
	v4 =	vld.idx.msk [tilespmem:v4+s2+$0x0], $0xffff;
	[tilespmem:s30+$0xC0F0] =	vst v10  }
0x59: {  	s4 =	sor.u32 s5, s4;
	[tilespmem:s30+$0xC080] =	vst v8;
	v3 =	vld.idx.msk [tilespmem:v3+s2+$0x0], $0xffff  }
0x5a: {  	v8 =	vld [tilespmem:s4+$0x40F0];
	[tilespmem:s30+$0xC090] =	vst v6  }
0x5b: {  	v6 =	vld [tilespmem:s4+$0x4080];
	[tilespmem:s30+$0xC0A0] =	vst v5  }
0x5c: {  	v5 =	vld [tilespmem:s4+$0x4090];
	[tilespmem:s30+$0xC0B0] =	vst v9  }
0x5d: {  	v11 =	vld [tilespmem:s4+$0x40A0];
	[tilespmem:s30+$0xC0C0] =	vst v7  }
0x5e: {  	v9 =	vld [tilespmem:s4+$0x40B0];
	[tilespmem:s30+$0xC0D0] =	vst v4  }
0x5f: {  	v7 =	vld [tilespmem:s4+$0x40C0];
	[tilespmem:s30+$0xC0E0] =	vst v3;
	s30 =	smov.u32 s4  }
0x60: {  	v4 =	vld [tilespmem:s30+$0x40D0]  }
.Ltmp1:
0x61: {  	v3 =	vld [tilespmem:s30+$0x40E0];
	(pc) =	sbr.rel @p0 .LBB2_4-.Ltmp1, $4  }
0x62: {  	v10 =	vld.idx.msk [tilespmem:v8+s2+$0x0], $0xffff  }
0x63: {  	v8 =	vld.idx.msk [tilespmem:v6+s2+$0x0], $0xffff  }
0x64: {  	v6 =	vld.idx.msk [tilespmem:v5+s2+$0x0], $0xffff  }
0x65: {  	v5 =	vld.idx.msk [tilespmem:v11+s2+$0x0], $0xffff  }
0x66: {  	_ =	sdelay $0x3  }
0x67: {  	v9 =	vld.idx.msk [tilespmem:v9+s2+$0x0], $0xffff  }
0x68: {  	v7 =	vld.idx.msk [tilespmem:v7+s2+$0x0], $0xffff;
	[tilespmem:s30+$0xC0F0] =	vst v10  }
0x69: {  	v4 =	vld.idx.msk [tilespmem:v4+s2+$0x0], $0xffff;
	[tilespmem:s30+$0xC080] =	vst v8  }
0x6a: {  	v3 =	vld.idx.msk [tilespmem:v3+s2+$0x0], $0xffff;
	[tilespmem:s30+$0xC090] =	vst v6  }
0x6b: {  	[tilespmem:s30+$0xC0A0] =	vst v5  }
0x6c: {  	[tilespmem:s30+$0xC0B0] =	vst v9  }
0x6d: {  	[tilespmem:s30+$0xC0C0] =	vst v7  }
0x6e: {  	[tilespmem:s30+$0xC0D0] =	vst v4  }
0x6f: {  	[tilespmem:s30+$0xC0E0] =	vst v3;
	s30 =	simm.s32 $0x0  }
0x70: {  	[hbm4b:s8+s30] =	stream.linear.scatter [tilespmem:s25], [sflag:$0x4], $0x4000, $0x38;
	[tilespmem:$0x10080] =	vst v63  }
0x71: {  	_ = 	snop  }
0x72: {  	[tilespmem:s22], [sflag:$0x2] =	stream.linear.gather [hbm4b:s9+s30], $0x4000, $0x38;
	[tilespmem:$0x10080] =	vst v63  }
0x73: {  	_ =	swait.ge [sflag:s3], $0x4000  }
0x74: {  	[sflag:s3] =	ssyncset.done $0x0  }
0x75: {  	s1 =	simm.s32 $0x0;
	[sflag:s3] =	ssyncadd.s32 $0xFFFFC000  }
0x76: {  	s0 =	sand.u32 $0x3000, s1;
	s4 =	sand.u32 $0xC00, s30;
	_ =	swait.ge [sflag:s26], $0x4000  }
0x77: {  	s5 =	sand.u32 $0x380, s30;
	s0 =	sor.u32 s0, s4;
	[sflag:s26] =	ssyncset.done $0x0  }
0x78: {  	s31 =	sor.u32 s5, s0;
	[sflag:s26] =	ssyncadd.s32 $0xFFFFC000  }
0x79: {  	v5 =	vld [tilespmem:s31+$0xF0]  }
0x7a: {  	v6 =	vld [tilespmem:s31+$0x80]  }
0x7b: {  	v11 =	vld [tilespmem:s31+$0x90]  }
0x7c: {  	v12 =	vld [tilespmem:s31+$0xA0]  }
0x7d: {  	v9 =	vld [tilespmem:s31+$0xB0]  }
0x7e: {  	v7 =	vld [tilespmem:s31+$0xC0]  }
0x7f: {  	v4 =	vld [tilespmem:s31+$0xD0]  }
0x80: {  	v3 =	vld [tilespmem:s31+$0xE0]  }
0x81: {  	v10 =	vld.idx.msk [tilespmem:v5+s2+$0x0], $0xffff  }
0x82: {  	v8 =	vld.idx.msk [tilespmem:v6+s2+$0x0], $0xffff  }
0x83: {  	v6 =	vld.idx.msk [tilespmem:v11+s2+$0x0], $0xffff  }
0x84: {  	s0 =	simm.s32 $0x0;
	v5 =	vld.idx.msk [tilespmem:v12+s2+$0x0], $0xffff  }
.LBB2_6:
0x85: {  	s1 =	sadd.s32 $0x80, s1;
	v9 =	vld.idx.msk [tilespmem:v9+s2+$0x0], $0xffff;
	s30 =	sadd.s32 $0x400, s30  }
0x86: {  	s0 =	sadd.s32 $0x20, s0;
	s4 =	sand.u32 $0x3000, s1;
	s5 =	sand.u32 $0xC00, s30;
	v7 =	vld.idx.msk [tilespmem:v7+s2+$0x0], $0xffff  }
0x87: {  	p0 =	slt.u32 s1, $0x3F80;
	s4 =	sor.u32 s4, s5;
	s5 =	sand.u32 $0x380, s0;
	v4 =	vld.idx.msk [tilespmem:v4+s2+$0x0], $0xffff;
	[tilespmem:s31+$0x80F0] =	vst v10  }
0x88: {  	s4 =	sor.u32 s5, s4;
	[tilespmem:s31+$0x8080] =	vst v8;
	v3 =	vld.idx.msk [tilespmem:v3+s2+$0x0], $0xffff  }
0x89: {  	v8 =	vld [tilespmem:s4+$0xF0];
	[tilespmem:s31+$0x8090] =	vst v6  }
0x8a: {  	v6 =	vld [tilespmem:s4+$0x80];
	[tilespmem:s31+$0x80A0] =	vst v5  }
0x8b: {  	v5 =	vld [tilespmem:s4+$0x90];
	[tilespmem:s31+$0x80B0] =	vst v9  }
0x8c: {  	v11 =	vld [tilespmem:s4+$0xA0];
	[tilespmem:s31+$0x80C0] =	vst v7  }
0x8d: {  	v9 =	vld [tilespmem:s4+$0xB0];
	[tilespmem:s31+$0x80D0] =	vst v4  }
0x8e: {  	v7 =	vld [tilespmem:s4+$0xC0];
	[tilespmem:s31+$0x80E0] =	vst v3;
	s31 =	smov.u32 s4  }
0x8f: {  	v4 =	vld [tilespmem:s31+$0xD0]  }
.Ltmp2:
0x90: {  	v3 =	vld [tilespmem:s31+$0xE0];
	(pc) =	sbr.rel @p0 .LBB2_6-.Ltmp2, $4  }
0x91: {  	v10 =	vld.idx.msk [tilespmem:v8+s2+$0x0], $0xffff  }
0x92: {  	v8 =	vld.idx.msk [tilespmem:v6+s2+$0x0], $0xffff  }
0x93: {  	v6 =	vld.idx.msk [tilespmem:v5+s2+$0x0], $0xffff  }
0x94: {  	v5 =	vld.idx.msk [tilespmem:v11+s2+$0x0], $0xffff  }
0x95: {  	_ =	sdelay $0x3  }
0x96: {  	v9 =	vld.idx.msk [tilespmem:v9+s2+$0x0], $0xffff  }
0x97: {  	v7 =	vld.idx.msk [tilespmem:v7+s2+$0x0], $0xffff;
	[tilespmem:s31+$0x80F0] =	vst v10  }
0x98: {  	v4 =	vld.idx.msk [tilespmem:v4+s2+$0x0], $0xffff;
	[tilespmem:s31+$0x8080] =	vst v8  }
0x99: {  	v3 =	vld.idx.msk [tilespmem:v3+s2+$0x0], $0xffff;
	[tilespmem:s31+$0x8090] =	vst v6  }
0x9a: {  	[tilespmem:s31+$0x80A0] =	vst v5  }
0x9b: {  	[tilespmem:s31+$0x80B0] =	vst v9  }
0x9c: {  	[tilespmem:s31+$0x80C0] =	vst v7  }
0x9d: {  	[tilespmem:s31+$0x80D0] =	vst v4  }
0x9e: {  	s30 =	simm.s32 $0x0;
	[tilespmem:s31+$0x80E0] =	vst v3  }
0x9f: {  	[hbm4b:s10+s30] =	stream.linear.scatter [tilespmem:s23], [sflag:$0x3], $0x4000, $0x38;
	[tilespmem:$0x10080] =	vst v63  }
0xa0: {  	_ = 	snop  }
0xa1: {  	[tilespmem:s21], [sflag:$0x1] =	stream.linear.gather [hbm4b:s11+s30], $0x4000, $0x38;
	[tilespmem:$0x10080] =	vst v63  }
0xa2: {  	_ =	swait.ge [sflag:s24], $0x4000  }
0xa3: {  	[sflag:s24] =	ssyncset.done $0x0  }
0xa4: {  	s1 =	simm.s32 $0x0;
	[sflag:s24] =	ssyncadd.s32 $0xFFFFC000  }
0xa5: {  	s0 =	sand.u32 $0x3000, s1;
	s4 =	sand.u32 $0xC00, s30;
	_ =	swait.ge [sflag:s28], $0x4000  }
0xa6: {  	s5 =	sand.u32 $0x380, s30;
	s0 =	sor.u32 s0, s4;
	[sflag:s28] =	ssyncset.done $0x0  }
0xa7: {  	s31 =	sor.u32 s5, s0;
	[sflag:s28] =	ssyncadd.s32 $0xFFFFC000  }
0xa8: {  	v5 =	vld [tilespmem:s31+$0x40F0]  }
0xa9: {  	v6 =	vld [tilespmem:s31+$0x4080]  }
0xaa: {  	v11 =	vld [tilespmem:s31+$0x4090]  }
0xab: {  	v12 =	vld [tilespmem:s31+$0x40A0]  }
0xac: {  	v9 =	vld [tilespmem:s31+$0x40B0]  }
0xad: {  	v7 =	vld [tilespmem:s31+$0x40C0]  }
0xae: {  	v4 =	vld [tilespmem:s31+$0x40D0]  }
0xaf: {  	v3 =	vld [tilespmem:s31+$0x40E0]  }
0xb0: {  	v10 =	vld.idx.msk [tilespmem:v5+s2+$0x0], $0xffff  }
0xb1: {  	v8 =	vld.idx.msk [tilespmem:v6+s2+$0x0], $0xffff  }
0xb2: {  	v6 =	vld.idx.msk [tilespmem:v11+s2+$0x0], $0xffff  }
0xb3: {  	s0 =	simm.s32 $0x0;
	v5 =	vld.idx.msk [tilespmem:v12+s2+$0x0], $0xffff  }
.LBB2_8:
0xb4: {  	s1 =	sadd.s32 $0x80, s1;
	v9 =	vld.idx.msk [tilespmem:v9+s2+$0x0], $0xffff;
	s30 =	sadd.s32 $0x400, s30  }
0xb5: {  	s0 =	sadd.s32 $0x20, s0;
	s4 =	sand.u32 $0x3000, s1;
	s5 =	sand.u32 $0xC00, s30;
	v7 =	vld.idx.msk [tilespmem:v7+s2+$0x0], $0xffff  }
0xb6: {  	p0 =	slt.u32 s1, $0x3F80;
	s4 =	sor.u32 s4, s5;
	s5 =	sand.u32 $0x380, s0;
	v4 =	vld.idx.msk [tilespmem:v4+s2+$0x0], $0xffff;
	[tilespmem:s31+$0xC0F0] =	vst v10  }
0xb7: {  	s4 =	sor.u32 s5, s4;
	[tilespmem:s31+$0xC080] =	vst v8;
	v3 =	vld.idx.msk [tilespmem:v3+s2+$0x0], $0xffff  }
0xb8: {  	v8 =	vld [tilespmem:s4+$0x40F0];
	[tilespmem:s31+$0xC090] =	vst v6  }
0xb9: {  	v6 =	vld [tilespmem:s4+$0x4080];
	[tilespmem:s31+$0xC0A0] =	vst v5  }
0xba: {  	v5 =	vld [tilespmem:s4+$0x4090];
	[tilespmem:s31+$0xC0B0] =	vst v9  }
0xbb: {  	v11 =	vld [tilespmem:s4+$0x40A0];
	[tilespmem:s31+$0xC0C0] =	vst v7  }
0xbc: {  	v9 =	vld [tilespmem:s4+$0x40B0];
	[tilespmem:s31+$0xC0D0] =	vst v4  }
0xbd: {  	v7 =	vld [tilespmem:s4+$0x40C0];
	[tilespmem:s31+$0xC0E0] =	vst v3;
	s31 =	smov.u32 s4  }
0xbe: {  	v4 =	vld [tilespmem:s31+$0x40D0]  }
.Ltmp3:
0xbf: {  	v3 =	vld [tilespmem:s31+$0x40E0];
	(pc) =	sbr.rel @p0 .LBB2_8-.Ltmp3, $4  }
0xc0: {  	v10 =	vld.idx.msk [tilespmem:v8+s2+$0x0], $0xffff  }
0xc1: {  	v8 =	vld.idx.msk [tilespmem:v6+s2+$0x0], $0xffff  }
0xc2: {  	v6 =	vld.idx.msk [tilespmem:v5+s2+$0x0], $0xffff  }
0xc3: {  	v5 =	vld.idx.msk [tilespmem:v11+s2+$0x0], $0xffff  }
0xc4: {  	_ =	sdelay $0x3  }
0xc5: {  	v9 =	vld.idx.msk [tilespmem:v9+s2+$0x0], $0xffff  }
0xc6: {  	v7 =	vld.idx.msk [tilespmem:v7+s2+$0x0], $0xffff;
	[tilespmem:s31+$0xC0F0] =	vst v10  }
0xc7: {  	v4 =	vld.idx.msk [tilespmem:v4+s2+$0x0], $0xffff;
	[tilespmem:s31+$0xC080] =	vst v8  }
0xc8: {  	v3 =	vld.idx.msk [tilespmem:v3+s2+$0x0], $0xffff;
	[tilespmem:s31+$0xC090] =	vst v6  }
0xc9: {  	[tilespmem:s31+$0xC0A0] =	vst v5  }
0xca: {  	[tilespmem:s31+$0xC0B0] =	vst v9  }
0xcb: {  	[tilespmem:s31+$0xC0C0] =	vst v7  }
0xcc: {  	[tilespmem:s31+$0xC0D0] =	vst v4  }
0xcd: {  	s30 =	simm.s32 $0x0;
	[tilespmem:s31+$0xC0E0] =	vst v3  }
0xce: {  	[hbm4b:s12+s30] =	stream.linear.scatter [tilespmem:s25], [sflag:$0x4], $0x4000, $0x38;
	[tilespmem:$0x10080] =	vst v63  }
0xcf: {  	_ = 	snop  }
0xd0: {  	[tilespmem:s22], [sflag:$0x2] =	stream.linear.gather [hbm4b:s13+s30], $0x4000, $0x38;
	[tilespmem:$0x10080] =	vst v63  }
0xd1: {  	_ =	swait.ge [sflag:s3], $0x4000  }
0xd2: {  	[sflag:s3] =	ssyncset.done $0x0  }
0xd3: {  	s1 =	simm.s32 $0x0;
	[sflag:s3] =	ssyncadd.s32 $0xFFFFC000  }
0xd4: {  	s0 =	sand.u32 $0x3000, s1;
	s4 =	sand.u32 $0xC00, s30;
	_ =	swait.ge [sflag:s26], $0x4000  }
0xd5: {  	s5 =	sand.u32 $0x380, s30;
	s0 =	sor.u32 s0, s4;
	[sflag:s26] =	ssyncset.done $0x0  }
0xd6: {  	s31 =	sor.u32 s5, s0;
	[sflag:s26] =	ssyncadd.s32 $0xFFFFC000  }
0xd7: {  	v5 =	vld [tilespmem:s31+$0xF0]  }
0xd8: {  	v6 =	vld [tilespmem:s31+$0x80]  }
0xd9: {  	v11 =	vld [tilespmem:s31+$0x90]  }
0xda: {  	v12 =	vld [tilespmem:s31+$0xA0]  }
0xdb: {  	v9 =	vld [tilespmem:s31+$0xB0]  }
0xdc: {  	v7 =	vld [tilespmem:s31+$0xC0]  }
0xdd: {  	v4 =	vld [tilespmem:s31+$0xD0]  }
0xde: {  	v3 =	vld [tilespmem:s31+$0xE0]  }
0xdf: {  	v10 =	vld.idx.msk [tilespmem:v5+s2+$0x0], $0xffff  }
0xe0: {  	v8 =	vld.idx.msk [tilespmem:v6+s2+$0x0], $0xffff  }
0xe1: {  	v6 =	vld.idx.msk [tilespmem:v11+s2+$0x0], $0xffff  }
0xe2: {  	s0 =	simm.s32 $0x0;
	v5 =	vld.idx.msk [tilespmem:v12+s2+$0x0], $0xffff  }
.LBB2_10:
0xe3: {  	s1 =	sadd.s32 $0x80, s1;
	v9 =	vld.idx.msk [tilespmem:v9+s2+$0x0], $0xffff;
	s30 =	sadd.s32 $0x400, s30  }
0xe4: {  	s0 =	sadd.s32 $0x20, s0;
	s4 =	sand.u32 $0x3000, s1;
	s5 =	sand.u32 $0xC00, s30;
	v7 =	vld.idx.msk [tilespmem:v7+s2+$0x0], $0xffff  }
0xe5: {  	p0 =	slt.u32 s1, $0x3F80;
	s4 =	sor.u32 s4, s5;
	s5 =	sand.u32 $0x380, s0;
	v4 =	vld.idx.msk [tilespmem:v4+s2+$0x0], $0xffff;
	[tilespmem:s31+$0x80F0] =	vst v10  }
0xe6: {  	s4 =	sor.u32 s5, s4;
	[tilespmem:s31+$0x8080] =	vst v8;
	v3 =	vld.idx.msk [tilespmem:v3+s2+$0x0], $0xffff  }
0xe7: {  	v8 =	vld [tilespmem:s4+$0xF0];
	[tilespmem:s31+$0x8090] =	vst v6  }
0xe8: {  	v6 =	vld [tilespmem:s4+$0x80];
	[tilespmem:s31+$0x80A0] =	vst v5  }
0xe9: {  	v5 =	vld [tilespmem:s4+$0x90];
	[tilespmem:s31+$0x80B0] =	vst v9  }
0xea: {  	v11 =	vld [tilespmem:s4+$0xA0];
	[tilespmem:s31+$0x80C0] =	vst v7  }
0xeb: {  	v9 =	vld [tilespmem:s4+$0xB0];
	[tilespmem:s31+$0x80D0] =	vst v4  }
0xec: {  	v7 =	vld [tilespmem:s4+$0xC0];
	[tilespmem:s31+$0x80E0] =	vst v3;
	s31 =	smov.u32 s4  }
0xed: {  	v4 =	vld [tilespmem:s31+$0xD0]  }
.Ltmp4:
0xee: {  	v3 =	vld [tilespmem:s31+$0xE0];
	(pc) =	sbr.rel @p0 .LBB2_10-.Ltmp4, $4  }
0xef: {  	v10 =	vld.idx.msk [tilespmem:v8+s2+$0x0], $0xffff  }
0xf0: {  	v8 =	vld.idx.msk [tilespmem:v6+s2+$0x0], $0xffff  }
0xf1: {  	v6 =	vld.idx.msk [tilespmem:v5+s2+$0x0], $0xffff  }
0xf2: {  	v5 =	vld.idx.msk [tilespmem:v11+s2+$0x0], $0xffff  }
0xf3: {  	_ =	sdelay $0x3  }
0xf4: {  	v9 =	vld.idx.msk [tilespmem:v9+s2+$0x0], $0xffff  }
0xf5: {  	v7 =	vld.idx.msk [tilespmem:v7+s2+$0x0], $0xffff;
	[tilespmem:s31+$0x80F0] =	vst v10  }
0xf6: {  	v4 =	vld.idx.msk [tilespmem:v4+s2+$0x0], $0xffff;
	[tilespmem:s31+$0x8080] =	vst v8  }
0xf7: {  	v3 =	vld.idx.msk [tilespmem:v3+s2+$0x0], $0xffff;
	[tilespmem:s31+$0x8090] =	vst v6  }
0xf8: {  	[tilespmem:s31+$0x80A0] =	vst v5  }
0xf9: {  	[tilespmem:s31+$0x80B0] =	vst v9  }
0xfa: {  	[tilespmem:s31+$0x80C0] =	vst v7  }
0xfb: {  	[tilespmem:s31+$0x80D0] =	vst v4  }
0xfc: {  	s30 =	simm.s32 $0x0;
	[tilespmem:s31+$0x80E0] =	vst v3  }
0xfd: {  	[hbm4b:s14+s30] =	stream.linear.scatter [tilespmem:s23], [sflag:$0x3], $0x4000, $0x38;
	[tilespmem:$0x10080] =	vst v63  }
0xfe: {  	_ = 	snop  }
0xff: {  	[tilespmem:s21], [sflag:$0x1] =	stream.linear.gather [hbm4b:s15+s30], $0x4000, $0x38;
	[tilespmem:$0x10080] =	vst v63  }
0x100: {  	_ =	swait.ge [sflag:s24], $0x4000  }
0x101: {  	[sflag:s24] =	ssyncset.done $0x0  }
0x102: {  	s1 =	simm.s32 $0x0;
	[sflag:s24] =	ssyncadd.s32 $0xFFFFC000  }
0x103: {  	s0 =	sand.u32 $0x3000, s1;
	s4 =	sand.u32 $0xC00, s30;
	_ =	swait.ge [sflag:s28], $0x4000  }
0x104: {  	s5 =	sand.u32 $0x380, s30;
	s0 =	sor.u32 s0, s4;
	[sflag:s28] =	ssyncset.done $0x0  }
0x105: {  	s31 =	sor.u32 s5, s0;
	[sflag:s28] =	ssyncadd.s32 $0xFFFFC000  }
0x106: {  	v5 =	vld [tilespmem:s31+$0x40F0]  }
0x107: {  	v6 =	vld [tilespmem:s31+$0x4080]  }
0x108: {  	v11 =	vld [tilespmem:s31+$0x4090]  }
0x109: {  	v12 =	vld [tilespmem:s31+$0x40A0]  }
0x10a: {  	v9 =	vld [tilespmem:s31+$0x40B0]  }
0x10b: {  	v7 =	vld [tilespmem:s31+$0x40C0]  }
0x10c: {  	v4 =	vld [tilespmem:s31+$0x40D0]  }
0x10d: {  	v3 =	vld [tilespmem:s31+$0x40E0]  }
0x10e: {  	v10 =	vld.idx.msk [tilespmem:v5+s2+$0x0], $0xffff  }
0x10f: {  	v8 =	vld.idx.msk [tilespmem:v6+s2+$0x0], $0xffff  }
0x110: {  	v6 =	vld.idx.msk [tilespmem:v11+s2+$0x0], $0xffff  }
0x111: {  	s0 =	simm.s32 $0x0;
	v5 =	vld.idx.msk [tilespmem:v12+s2+$0x0], $0xffff  }
.LBB2_12:
0x112: {  	s1 =	sadd.s32 $0x80, s1;
	v9 =	vld.idx.msk [tilespmem:v9+s2+$0x0], $0xffff;
	s30 =	sadd.s32 $0x400, s30  }
0x113: {  	s0 =	sadd.s32 $0x20, s0;
	s4 =	sand.u32 $0x3000, s1;
	s5 =	sand.u32 $0xC00, s30;
	v7 =	vld.idx.msk [tilespmem:v7+s2+$0x0], $0xffff  }
0x114: {  	p0 =	slt.u32 s1, $0x3F80;
	s4 =	sor.u32 s4, s5;
	s5 =	sand.u32 $0x380, s0;
	v4 =	vld.idx.msk [tilespmem:v4+s2+$0x0], $0xffff;
	[tilespmem:s31+$0xC0F0] =	vst v10  }
0x115: {  	s4 =	sor.u32 s5, s4;
	[tilespmem:s31+$0xC080] =	vst v8;
	v3 =	vld.idx.msk [tilespmem:v3+s2+$0x0], $0xffff  }
0x116: {  	v8 =	vld [tilespmem:s4+$0x40F0];
	[tilespmem:s31+$0xC090] =	vst v6  }
0x117: {  	v6 =	vld [tilespmem:s4+$0x4080];
	[tilespmem:s31+$0xC0A0] =	vst v5  }
0x118: {  	v5 =	vld [tilespmem:s4+$0x4090];
	[tilespmem:s31+$0xC0B0] =	vst v9  }
0x119: {  	v11 =	vld [tilespmem:s4+$0x40A0];
	[tilespmem:s31+$0xC0C0] =	vst v7  }
0x11a: {  	v9 =	vld [tilespmem:s4+$0x40B0];
	[tilespmem:s31+$0xC0D0] =	vst v4  }
0x11b: {  	v7 =	vld [tilespmem:s4+$0x40C0];
	[tilespmem:s31+$0xC0E0] =	vst v3;
	s31 =	smov.u32 s4  }
0x11c: {  	v4 =	vld [tilespmem:s31+$0x40D0]  }
.Ltmp5:
0x11d: {  	v3 =	vld [tilespmem:s31+$0x40E0];
	(pc) =	sbr.rel @p0 .LBB2_12-.Ltmp5, $4  }
0x11e: {  	v10 =	vld.idx.msk [tilespmem:v8+s2+$0x0], $0xffff  }
0x11f: {  	v8 =	vld.idx.msk [tilespmem:v6+s2+$0x0], $0xffff  }
0x120: {  	v6 =	vld.idx.msk [tilespmem:v5+s2+$0x0], $0xffff  }
0x121: {  	v5 =	vld.idx.msk [tilespmem:v11+s2+$0x0], $0xffff  }
0x122: {  	_ =	sdelay $0x3  }
0x123: {  	v9 =	vld.idx.msk [tilespmem:v9+s2+$0x0], $0xffff  }
0x124: {  	v7 =	vld.idx.msk [tilespmem:v7+s2+$0x0], $0xffff;
	[tilespmem:s31+$0xC0F0] =	vst v10  }
0x125: {  	v4 =	vld.idx.msk [tilespmem:v4+s2+$0x0], $0xffff;
	[tilespmem:s31+$0xC080] =	vst v8  }
0x126: {  	v3 =	vld.idx.msk [tilespmem:v3+s2+$0x0], $0xffff;
	[tilespmem:s31+$0xC090] =	vst v6  }
0x127: {  	[tilespmem:s31+$0xC0A0] =	vst v5  }
0x128: {  	[tilespmem:s31+$0xC0B0] =	vst v9  }
0x129: {  	[tilespmem:s31+$0xC0C0] =	vst v7  }
0x12a: {  	[tilespmem:s31+$0xC0D0] =	vst v4  }
0x12b: {  	s30 =	simm.s32 $0x0;
	[tilespmem:s31+$0xC0E0] =	vst v3  }
0x12c: {  	[hbm4b:s16+s30] =	stream.linear.scatter [tilespmem:s25], [sflag:$0x4], $0x4000, $0x38;
	[tilespmem:$0x10080] =	vst v63  }
0x12d: {  	_ = 	snop  }
0x12e: {  	[tilespmem:s22], [sflag:$0x2] =	stream.linear.gather [hbm4b:s17+s30], $0x4000, $0x38;
	[tilespmem:$0x10080] =	vst v63  }
0x12f: {  	_ =	swait.ge [sflag:s3], $0x4000  }
0x130: {  	[sflag:s3] =	ssyncset.done $0x0  }
0x131: {  	s1 =	simm.s32 $0x0;
	[sflag:s3] =	ssyncadd.s32 $0xFFFFC000  }
0x132: {  	s0 =	sand.u32 $0x3000, s1;
	s4 =	sand.u32 $0xC00, s30;
	_ =	swait.ge [sflag:s26], $0x4000  }
0x133: {  	s5 =	sand.u32 $0x380, s30;
	s0 =	sor.u32 s0, s4;
	[sflag:s26] =	ssyncset.done $0x0  }
0x134: {  	s31 =	sor.u32 s5, s0;
	[sflag:s26] =	ssyncadd.s32 $0xFFFFC000  }
0x135: {  	v5 =	vld [tilespmem:s31+$0xF0]  }
0x136: {  	v6 =	vld [tilespmem:s31+$0x80]  }
0x137: {  	v11 =	vld [tilespmem:s31+$0x90]  }
0x138: {  	v12 =	vld [tilespmem:s31+$0xA0]  }
0x139: {  	v9 =	vld [tilespmem:s31+$0xB0]  }
0x13a: {  	v7 =	vld [tilespmem:s31+$0xC0]  }
0x13b: {  	v4 =	vld [tilespmem:s31+$0xD0]  }
0x13c: {  	v3 =	vld [tilespmem:s31+$0xE0]  }
0x13d: {  	v10 =	vld.idx.msk [tilespmem:v5+s2+$0x0], $0xffff  }
0x13e: {  	v8 =	vld.idx.msk [tilespmem:v6+s2+$0x0], $0xffff  }
0x13f: {  	v6 =	vld.idx.msk [tilespmem:v11+s2+$0x0], $0xffff  }
0x140: {  	s0 =	simm.s32 $0x0;
	v5 =	vld.idx.msk [tilespmem:v12+s2+$0x0], $0xffff  }
.LBB2_14:
0x141: {  	s1 =	sadd.s32 $0x80, s1;
	v9 =	vld.idx.msk [tilespmem:v9+s2+$0x0], $0xffff;
	s30 =	sadd.s32 $0x400, s30  }
0x142: {  	s0 =	sadd.s32 $0x20, s0;
	s4 =	sand.u32 $0x3000, s1;
	s5 =	sand.u32 $0xC00, s30;
	v7 =	vld.idx.msk [tilespmem:v7+s2+$0x0], $0xffff  }
0x143: {  	p0 =	slt.u32 s1, $0x3F80;
	s4 =	sor.u32 s4, s5;
	s5 =	sand.u32 $0x380, s0;
	v4 =	vld.idx.msk [tilespmem:v4+s2+$0x0], $0xffff;
	[tilespmem:s31+$0x80F0] =	vst v10  }
0x144: {  	s4 =	sor.u32 s5, s4;
	[tilespmem:s31+$0x8080] =	vst v8;
	v3 =	vld.idx.msk [tilespmem:v3+s2+$0x0], $0xffff  }
0x145: {  	v8 =	vld [tilespmem:s4+$0xF0];
	[tilespmem:s31+$0x8090] =	vst v6  }
0x146: {  	v6 =	vld [tilespmem:s4+$0x80];
	[tilespmem:s31+$0x80A0] =	vst v5  }
0x147: {  	v5 =	vld [tilespmem:s4+$0x90];
	[tilespmem:s31+$0x80B0] =	vst v9  }
0x148: {  	v11 =	vld [tilespmem:s4+$0xA0];
	[tilespmem:s31+$0x80C0] =	vst v7  }
0x149: {  	v9 =	vld [tilespmem:s4+$0xB0];
	[tilespmem:s31+$0x80D0] =	vst v4  }
0x14a: {  	v7 =	vld [tilespmem:s4+$0xC0];
	[tilespmem:s31+$0x80E0] =	vst v3;
	s31 =	smov.u32 s4  }
0x14b: {  	v4 =	vld [tilespmem:s31+$0xD0]  }
.Ltmp6:
0x14c: {  	v3 =	vld [tilespmem:s31+$0xE0];
	(pc) =	sbr.rel @p0 .LBB2_14-.Ltmp6, $4  }
0x14d: {  	v10 =	vld.idx.msk [tilespmem:v8+s2+$0x0], $0xffff  }
0x14e: {  	v8 =	vld.idx.msk [tilespmem:v6+s2+$0x0], $0xffff  }
0x14f: {  	v6 =	vld.idx.msk [tilespmem:v5+s2+$0x0], $0xffff  }
0x150: {  	v5 =	vld.idx.msk [tilespmem:v11+s2+$0x0], $0xffff  }
0x151: {  	_ =	sdelay $0x3  }
0x152: {  	v9 =	vld.idx.msk [tilespmem:v9+s2+$0x0], $0xffff  }
0x153: {  	v7 =	vld.idx.msk [tilespmem:v7+s2+$0x0], $0xffff;
	[tilespmem:s31+$0x80F0] =	vst v10  }
0x154: {  	v4 =	vld.idx.msk [tilespmem:v4+s2+$0x0], $0xffff;
	[tilespmem:s31+$0x8080] =	vst v8  }
0x155: {  	v3 =	vld.idx.msk [tilespmem:v3+s2+$0x0], $0xffff;
	[tilespmem:s31+$0x8090] =	vst v6  }
0x156: {  	[tilespmem:s31+$0x80A0] =	vst v5  }
0x157: {  	[tilespmem:s31+$0x80B0] =	vst v9  }
0x158: {  	[tilespmem:s31+$0x80C0] =	vst v7  }
0x159: {  	[tilespmem:s31+$0x80D0] =	vst v4  }
0x15a: {  	s30 =	simm.s32 $0x0;
	[tilespmem:s31+$0x80E0] =	vst v3  }
0x15b: {  	[hbm4b:s18+s30] =	stream.linear.scatter [tilespmem:s23], [sflag:$0x3], $0x4000, $0x38;
	[tilespmem:$0x10080] =	vst v63  }
0x15c: {  	_ =	swait.ge [sflag:s24], $0x4000  }
0x15d: {  	[sflag:s24] =	ssyncset.done $0x0  }
0x15e: {  	s1 =	simm.s32 $0x0;
	[sflag:s24] =	ssyncadd.s32 $0xFFFFC000  }
0x15f: {  	s0 =	sand.u32 $0x3000, s1;
	s4 =	sand.u32 $0xC00, s30;
	_ =	swait.ge [sflag:s28], $0x4000  }
0x160: {  	s5 =	sand.u32 $0x380, s30;
	s0 =	sor.u32 s0, s4;
	[sflag:s28] =	ssyncset.done $0x0  }
0x161: {  	s31 =	sor.u32 s5, s0;
	[sflag:s28] =	ssyncadd.s32 $0xFFFFC000  }
0x162: {  	v5 =	vld [tilespmem:s31+$0x40F0]  }
0x163: {  	v6 =	vld [tilespmem:s31+$0x4080]  }
0x164: {  	v11 =	vld [tilespmem:s31+$0x4090]  }
0x165: {  	v12 =	vld [tilespmem:s31+$0x40A0]  }
0x166: {  	v9 =	vld [tilespmem:s31+$0x40B0]  }
0x167: {  	v7 =	vld [tilespmem:s31+$0x40C0]  }
0x168: {  	v4 =	vld [tilespmem:s31+$0x40D0]  }
0x169: {  	v3 =	vld [tilespmem:s31+$0x40E0]  }
0x16a: {  	v10 =	vld.idx.msk [tilespmem:v5+s2+$0x0], $0xffff  }
0x16b: {  	v8 =	vld.idx.msk [tilespmem:v6+s2+$0x0], $0xffff  }
0x16c: {  	v6 =	vld.idx.msk [tilespmem:v11+s2+$0x0], $0xffff  }
0x16d: {  	s0 =	simm.s32 $0x0;
	v5 =	vld.idx.msk [tilespmem:v12+s2+$0x0], $0xffff  }
.LBB2_16:
0x16e: {  	s1 =	sadd.s32 $0x80, s1;
	v9 =	vld.idx.msk [tilespmem:v9+s2+$0x0], $0xffff;
	s30 =	sadd.s32 $0x400, s30  }
0x16f: {  	s0 =	sadd.s32 $0x20, s0;
	s4 =	sand.u32 $0x3000, s1;
	s5 =	sand.u32 $0xC00, s30;
	v7 =	vld.idx.msk [tilespmem:v7+s2+$0x0], $0xffff  }
0x170: {  	p0 =	slt.u32 s1, $0x3F80;
	s4 =	sor.u32 s4, s5;
	s5 =	sand.u32 $0x380, s0;
	v4 =	vld.idx.msk [tilespmem:v4+s2+$0x0], $0xffff;
	[tilespmem:s31+$0xC0F0] =	vst v10  }
0x171: {  	s4 =	sor.u32 s5, s4;
	[tilespmem:s31+$0xC080] =	vst v8;
	v3 =	vld.idx.msk [tilespmem:v3+s2+$0x0], $0xffff  }
0x172: {  	v8 =	vld [tilespmem:s4+$0x40F0];
	[tilespmem:s31+$0xC090] =	vst v6  }
0x173: {  	v6 =	vld [tilespmem:s4+$0x4080];
	[tilespmem:s31+$0xC0A0] =	vst v5  }
0x174: {  	v5 =	vld [tilespmem:s4+$0x4090];
	[tilespmem:s31+$0xC0B0] =	vst v9  }
0x175: {  	v11 =	vld [tilespmem:s4+$0x40A0];
	[tilespmem:s31+$0xC0C0] =	vst v7  }
0x176: {  	v9 =	vld [tilespmem:s4+$0x40B0];
	[tilespmem:s31+$0xC0D0] =	vst v4  }
0x177: {  	v7 =	vld [tilespmem:s4+$0x40C0];
	[tilespmem:s31+$0xC0E0] =	vst v3;
	s31 =	smov.u32 s4  }
0x178: {  	v4 =	vld [tilespmem:s31+$0x40D0]  }
.Ltmp7:
0x179: {  	v3 =	vld [tilespmem:s31+$0x40E0];
	(pc) =	sbr.rel @p0 .LBB2_16-.Ltmp7, $4  }
0x17a: {  	v10 =	vld.idx.msk [tilespmem:v8+s2+$0x0], $0xffff  }
0x17b: {  	v8 =	vld.idx.msk [tilespmem:v6+s2+$0x0], $0xffff  }
0x17c: {  	v6 =	vld.idx.msk [tilespmem:v5+s2+$0x0], $0xffff  }
0x17d: {  	v5 =	vld.idx.msk [tilespmem:v11+s2+$0x0], $0xffff  }
0x17e: {  	_ =	sdelay $0x3  }
0x17f: {  	v9 =	vld.idx.msk [tilespmem:v9+s2+$0x0], $0xffff  }
0x180: {  	v7 =	vld.idx.msk [tilespmem:v7+s2+$0x0], $0xffff;
	[tilespmem:s31+$0xC0F0] =	vst v10  }
0x181: {  	v4 =	vld.idx.msk [tilespmem:v4+s2+$0x0], $0xffff;
	[tilespmem:s31+$0xC080] =	vst v8  }
0x182: {  	v3 =	vld.idx.msk [tilespmem:v3+s2+$0x0], $0xffff;
	[tilespmem:s31+$0xC090] =	vst v6  }
0x183: {  	[tilespmem:s31+$0xC0A0] =	vst v5  }
0x184: {  	[tilespmem:s31+$0xC0B0] =	vst v9  }
0x185: {  	[tilespmem:s31+$0xC0C0] =	vst v7  }
0x186: {  	[tilespmem:s31+$0xC0D0] =	vst v4  }
0x187: {  	s29 =	sadd.s32 $0x1, s29;
	[tilespmem:s31+$0xC0E0] =	vst v3  }
0x188: {  	[hbm4b:s19+s2] =	stream.linear.scatter [tilespmem:s25], [sflag:$0x4], $0x4000, $0x38;
	[tilespmem:$0x10080] =	vst v63  }
0x189: {  	p0 =	sne.s32 s29, s20;
	_ =	swait.ge [sflag:s26], $0x4000  }
.Ltmp8:
0x18a: {  	[sflag:s26] =	ssyncset.done $0x0;
	(pc) =	sbr.rel @p0 .LBB2_1-.Ltmp8, $4  }
0x18b: {  	[sflag:s26] =	ssyncadd.s32 $0xFFFFC000  }
0x18c: {  	_ =	swait.ge [sflag:s28], $0x4000  }
0x18d: {  	[sflag:s28] =	ssyncset.done $0x0  }
0x18e: {  	[sflag:s28] =	ssyncadd.s32 $0xFFFFC000  }
0x18f: {  	_ =	sfence.sel $0x180000  }
0x190: {  	[bflag:$0x0] =	sbarrier.arrive $0xFFFF  }
0x191: {  	_ =	strace $0x90000047  }
0x192: {  	s0 =	stileid.u32;
	[bflag:$0x2] =	sbarrier.arrive $0xFFFF  }
0x193: {  	p0 =	sne.s32 s0, $0x0;
	s0 =	rddreg [dreg:$0x2]  }
0x194: {  	s0 =	sadd.s32 @!p0 $0x100000, s0  }
0x195: {  	[sflag:s0] =	ssyncadd.tile.s32 @!p0 $0x1;
	_ =	shalt  }
.Lfunc_end2:
_tile_overlayer_lowered:
.L_overlay_start_2:
0x196: {  	(tag) =	ssettag $0x2  }
0x197: {  	s0 =	rddreg [dreg:$0x0];
	s2 =	stileid.u32  }
0x198: {  	s1 =	rddreg [dreg:$0x1];
	p0 =	sne.s32 s2, $0x0  }
0x199: {  	s3 =	rddreg [dreg:$0x2];
	[bflag:$0x3] =	sbarrier.arrive $0xFFFF;
	s2 =	simm.s32 @!p0 $0x1C05  }
0x19a: {  	[timem:s3], [sflag:s2] =	dma.local @!p0 [hbm:s0], s1  }
0x19b: {  	s0 =	simm.s32 @!p0 $0x5  }
0x19c: {  	_ =	swait.ge @!p0 [sflag:s0], s1  }
0x19d: {  	s1 =	ssub.s32 @!p0 $0x0, s1;
	[sflag:s0] =	ssyncset.done @!p0 $0x0  }
0x19e: {  	[sflag:s0] =	ssyncadd.s32 @!p0 s1  }
0x19f: {  	[bflag:$0x3] =	sbarrier.arrive $0xFFFF  }
0x1a0: {  	_ =	shalt  }

</sc_bundles>
